<compile_context>
chip_gen: v7x
topology: tpu7x:2x2x1
jax: 0.10.2.dev20260603
libtpu: 0.0.44.dev20260713+nightly
codegen_flags: <defaults>
</compile_context>

<pallas_src>
import functools

import jax
import jax.numpy as jnp
from jax import lax
from jax.experimental import pallas as pl
from jax.experimental.pallas import tpu as pltpu
from jax.experimental.pallas import tpu_sc as plsc

N_NODES = 10000
N_PAIRS = 160000
N_HEDGES = 20000
D = 256

LANES = 16
NWORK = 32
PPW = N_PAIRS // NWORK
NCHUNK = PPW // LANES
TAIL = PPW - NCHUNK * LANES
PPW_PAD = (NCHUNK + 1) * LANES
H_ROWS = 160
H_COLS = 128
H_PAD = H_ROWS * H_COLS
WIN = 16


def _matvec_body(x_ref, wt_ref, y_ref):
    ycol = jnp.dot(x_ref[...], wt_ref[...],
                   preferred_element_type=jnp.float32)
    y_ref[...] = ycol.reshape(8, 128)


def _sc_body(y_hbm, nidx_hbm, eidx_hbm, sums_hbm, cnts_hbm, meta_hbm,
             y_v, nidx_v, eidx_v, acc_v, cnt_v, meta_v, y_sem):
    wid = lax.axis_index("s") * 2 + lax.axis_index("c")
    base = wid * PPW

    y_copy = pltpu.make_async_copy(y_hbm, y_v, y_sem)
    y_copy.start()
    pltpu.sync_copy(nidx_hbm.at[pl.ds(base, PPW)], nidx_v.at[pl.ds(0, PPW)])
    pltpu.sync_copy(eidx_hbm.at[pl.ds(base, PPW)], eidx_v.at[pl.ds(0, PPW)])

    zeros = jnp.zeros((LANES,), jnp.float32)
    ones = jnp.ones((LANES,), jnp.float32)

    lo_row = lax.shift_right_logical(jnp.min(eidx_v[pl.ds(0, LANES)]), 7)
    hi_row = lax.shift_right_logical(
        jnp.max(eidx_v[pl.ds(PPW - LANES, LANES)]), 7)

    def zero_body(r, carry):
        for c in range(H_COLS // LANES):
            acc_v[r, pl.ds(c * LANES, LANES)] = zeros
            cnt_v[r, pl.ds(c * LANES, LANES)] = zeros
        return carry

    lax.fori_loop(lo_row, hi_row + 1, zero_body, 0)

    def do_chunk(off):
        ni = nidx_v[pl.ds(off, LANES)]
        ei = eidx_v[pl.ds(off, LANES)]
        er = lax.shift_right_logical(ei, 7)
        ec = lax.bitwise_and(ei, 127)
        vals = plsc.load_gather(
            y_v, [lax.shift_right_logical(ni, 7), lax.bitwise_and(ni, 127)])
        plsc.addupdate_scatter(acc_v, [er, ec], vals)
        plsc.addupdate_scatter(cnt_v, [er, ec], ones)

    y_copy.wait()

    UNROLL = 4

    def pair_body(i, carry):
        for u in range(UNROLL):
            do_chunk(i * (LANES * UNROLL) + u * LANES)
        return carry

    lax.fori_loop(0, NCHUNK // UNROLL, pair_body, 0)

    mask = lax.iota(jnp.int32, LANES) < TAIL
    off = NCHUNK * LANES
    ni = jnp.where(mask, nidx_v[pl.ds(off, LANES)], 0)
    ei = jnp.where(mask, eidx_v[pl.ds(off, LANES)], 0)
    er = lax.shift_right_logical(ei, 7)
    ec = lax.bitwise_and(ei, 127)
    vals = plsc.load_gather(
        y_v, [lax.shift_right_logical(ni, 7), lax.bitwise_and(ni, 127)])
    plsc.addupdate_scatter(acc_v, [er, ec], vals, mask=mask)
    plsc.addupdate_scatter(cnt_v, [er, ec], ones, mask=mask)

    start = pl.multiple_of(
        jnp.minimum(lax.bitwise_and(lo_row, ~7), H_ROWS - WIN), 8)
    nrows = hi_row + 1 - start

    def narrow_wb(_):
        pltpu.sync_copy(acc_v.at[pl.ds(start, WIN), :],
                        sums_hbm.at[wid, pl.ds(start, WIN), :])
        pltpu.sync_copy(cnt_v.at[pl.ds(start, WIN), :],
                        cnts_hbm.at[wid, pl.ds(start, WIN), :])
        return 0

    def full_wb(_):
        pltpu.sync_copy(acc_v, sums_hbm.at[wid])
        pltpu.sync_copy(cnt_v, cnts_hbm.at[wid])
        return 0

    lax.cond(nrows <= WIN, narrow_wb, full_wb, 0)

    lanes = lax.iota(jnp.int32, LANES)
    meta = jnp.where(lanes == 0, lo_row, jnp.where(lanes == 1, hi_row, 0))
    meta_v[...] = meta
    pltpu.sync_copy(meta_v, meta_hbm.at[wid])


def _finalize_body(s_ref, c_ref, meta_ref, b_ref, out_ref):
    rows = lax.broadcasted_iota(jnp.int32, (H_ROWS, H_COLS), 0)
    s = jnp.zeros((H_ROWS, H_COLS), jnp.float32)
    c = jnp.zeros((H_ROWS, H_COLS), jnp.float32)
    for w in range(NWORK):
        m = (rows >= meta_ref[w, 0]) & (rows <= meta_ref[w, 1])
        s = s + jnp.where(m, s_ref[w], 0.0)
        c = c + jnp.where(m, c_ref[w], 0.0)
    z = s / jnp.maximum(c, 1.0) + b_ref[0, 0]
    out_ref[...] = jax.nn.sigmoid(z)


@jax.jit
def kernel(X, node_idx, edge_idx, W, b):
    y = pl.pallas_call(
        _matvec_body,
        grid=(10,),
        in_specs=[
            pl.BlockSpec((1024, D), lambda i: (i, 0)),
            pl.BlockSpec((D, 1), lambda i: (0, 0)),
        ],
        out_specs=pl.BlockSpec((8, 128), lambda i: (i, 0)),
        out_shape=jax.ShapeDtypeStruct((80, 128), jnp.float32),
    )(X, W.reshape(D, 1))

    mesh = plsc.VectorSubcoreMesh(core_axis_name="c", subcore_axis_name="s")
    sc_seg = pl.kernel(
        _sc_body,
        out_type=(
            jax.ShapeDtypeStruct((NWORK, H_ROWS, H_COLS), jnp.float32),
            jax.ShapeDtypeStruct((NWORK, H_ROWS, H_COLS), jnp.float32),
            jax.ShapeDtypeStruct((NWORK, LANES), jnp.int32),
        ),
        mesh=mesh,
        compiler_params=pltpu.CompilerParams(needs_layout_passes=False),
        scratch_types=[
            pltpu.VMEM((80, 128), jnp.float32),
            pltpu.VMEM((PPW_PAD,), jnp.int32),
            pltpu.VMEM((PPW_PAD,), jnp.int32),
            pltpu.VMEM((H_ROWS, H_COLS), jnp.float32),
            pltpu.VMEM((H_ROWS, H_COLS), jnp.float32),
            pltpu.VMEM((LANES,), jnp.int32),
            pltpu.SemaphoreType.DMA,
        ],
    )
    sums, cnts, meta = sc_seg(y, node_idx, edge_idx)

    out = pl.pallas_call(
        _finalize_body,
        in_specs=[
            pl.BlockSpec((NWORK, H_ROWS, H_COLS), lambda: (0, 0, 0)),
            pl.BlockSpec((NWORK, H_ROWS, H_COLS), lambda: (0, 0, 0)),
            pl.BlockSpec(memory_space=pltpu.SMEM),
            pl.BlockSpec(memory_space=pltpu.SMEM),
        ],
        out_specs=pl.BlockSpec((H_ROWS, H_COLS), lambda: (0, 0)),
        out_shape=jax.ShapeDtypeStruct((H_ROWS, H_COLS), jnp.float32),
    )(sums, cnts, meta, b.reshape(1, 1))

    return out.reshape(H_PAD)[:N_HEDGES].reshape(N_HEDGES, 1)

# --- scband reference (transcript-rebuilt; emitter-appended) ---
"""Pipeline reference for scband-score-predictor-28071906247172 (READ-ONLY COPY).

The authoritative reference and input builder live on the scoring server;
editing this copy changes nothing except your own understanding.
"""

import jax, jax.numpy as jnp
import numpy as np

N_NODES = 10000
N_PAIRS = 160000
N_HEDGES = 20000
D = 256

def setup_inputs(seed: int = 0) -> dict:
    key = jax.random.key(seed)
    k1, k2, k3, k4, k5 = jax.random.split(key, 5)
    X = jax.random.normal(k1, (N_NODES, D), dtype=jnp.float32)
    node_idx = jax.random.randint(k2, (N_PAIRS,), 0, N_NODES, dtype=jnp.int32)
    edge_idx = jnp.sort(jax.random.randint(k3, (N_PAIRS,), 0, N_HEDGES, dtype=jnp.int32))
    # nn.Linear(D, 1) parameters
    bound = 1.0 / np.sqrt(D)
    W = jax.random.uniform(k4, (1, D), minval=-bound, maxval=bound, dtype=jnp.float32)
    b = jax.random.uniform(k5, (1,), minval=-bound, maxval=bound, dtype=jnp.float32)
    return {"X": X, "node_idx": node_idx, "edge_idx": edge_idx, "W": W, "b": b}

def reference(X, node_idx, edge_idx, W, b):
    # hypergraph.v2e(X, aggr='mean'): gather node embeddings per incidence pair,
    # then segment-mean into hyperedge embeddings.
    gathered = jnp.take(X, node_idx, axis=0)                       # [P, D]
    sums = jax.ops.segment_sum(gathered, edge_idx, num_segments=N_HEDGES)  # [H, D]
    ones = jnp.ones((N_PAIRS, 1), dtype=X.dtype)
    counts = jax.ops.segment_sum(ones, edge_idx, num_segments=N_HEDGES)    # [H, 1]
    hyperedge_embedding = sums / jnp.maximum(counts, 1.0)
    score = jax.nn.sigmoid(hyperedge_embedding @ W.T + b)          # [H, 1]
    return score

if __name__ == "__main__":
    import jax
    _d = setup_inputs()
    print(jax.jit(kernel)(*tuple(_d.values())))

</pallas_src>

<mosaic_0001>
#map = affine_map<(d0, d1) -> (0, 0)>
#map1 = affine_map<(d0, d1) -> (0)>
#map2 = affine_map<(d0, d1) -> (0, 0, 0)>
module attributes {stable_mosaic.version = 14 : i64} {
  func.func @_sc_body(%arg0: i32, %arg1: i32, %arg2: memref<80x128xf32, #tpu.memory_space<hbm>>, %arg3: memref<160000xi32, #tpu.memory_space<hbm>>, %arg4: memref<160000xi32, #tpu.memory_space<hbm>>, %arg5: memref<32x160x128xf32, #tpu.memory_space<hbm>>, %arg6: memref<32x160x128xf32, #tpu.memory_space<hbm>>, %arg7: memref<32x16xi32, #tpu.memory_space<hbm>>, %arg8: memref<80x128xf32, #tpu.memory_space<vmem>>, %arg9: memref<5008xi32, #tpu.memory_space<vmem>>, %arg10: memref<5008xi32, #tpu.memory_space<vmem>>, %arg11: memref<160x128xf32, #tpu.memory_space<vmem>>, %arg12: memref<160x128xf32, #tpu.memory_space<vmem>>, %arg13: memref<16xi32, #tpu.memory_space<vmem>>, %arg14: memref<!tpu.dma_semaphore, #tpu.memory_space<semaphore_mem>>) attributes {dimension_semantics = [#tpu.dimension_semantics<core_parallel>, #tpu.dimension_semantics<subcore_parallel>], iteration_bounds = array<i64: 2, 16>, scalar_prefetch = 0 : i64, scratch_operands = 7 : i64, tpu.core_type = #tpu.core_type<sc_vector_subcore>, window_params = [{transform_indices = #map}, {transform_indices = #map1}, {transform_indices = #map1}, {transform_indices = #map2}, {transform_indices = #map2}, {transform_indices = #map}]} {
    %mul3A = arith.constant 2 : i32
    %mul3A_0 = arith.muli %arg1, %mul3A : i32
    %add3A = arith.addi %mul3A_0, %arg0 : i32
    %mul3A_1 = arith.constant 5000 : i32
    %mul3A_2 = arith.muli %add3A, %mul3A_1 : i32
    tpu.enqueue_dma source(%arg2 : memref<80x128xf32, #tpu.memory_space<hbm>>) target(%arg8 : memref<80x128xf32, #tpu.memory_space<vmem>>) target_semaphore(%arg14 : memref<!tpu.dma_semaphore, #tpu.memory_space<semaphore_mem>>)
    "tpu.region"() ({
      %run_scoped3A = tpu.sem_alloc : memref<!tpu.dma_semaphore, #tpu.memory_space<semaphore_mem>>
      %dma_start3A = arith.constant 0 : i32
      %dma_start3A_84 = tpu.memref_slice %arg9[%dma_start3A] : memref<5008xi32, #tpu.memory_space<vmem>> -> memref<5000xi32, #tpu.memory_space<vmem>>
      %dma_start3A_85 = tpu.memref_slice %arg3[%mul3A_2] : memref<160000xi32, #tpu.memory_space<hbm>> -> memref<5000xi32, #tpu.memory_space<hbm>>
      %dma_start3A_86 = arith.constant 0 : i32
      %dma_start3A_87 = tpu.memref_slice %arg9[%dma_start3A_86] : memref<5008xi32, #tpu.memory_space<vmem>> -> memref<5000xi32, #tpu.memory_space<vmem>>
      %dma_start3A_88 = tpu.memref_slice %arg3[%mul3A_2] : memref<160000xi32, #tpu.memory_space<hbm>> -> memref<5000xi32, #tpu.memory_space<hbm>>
      tpu.enqueue_dma source(%dma_start3A_88 : memref<5000xi32, #tpu.memory_space<hbm>>) target(%dma_start3A_87 : memref<5000xi32, #tpu.memory_space<vmem>>) target_semaphore(%run_scoped3A : memref<!tpu.dma_semaphore, #tpu.memory_space<semaphore_mem>>)
      %dma_wait3A = arith.constant 0 : i32
      %dma_wait3A_89 = tpu.memref_slice %arg9[%dma_wait3A] : memref<5008xi32, #tpu.memory_space<vmem>> -> memref<5000xi32, #tpu.memory_space<vmem>>
      %dma_wait3A_90 = tpu.memref_slice %arg3[%mul3A_2] : memref<160000xi32, #tpu.memory_space<hbm>> -> memref<5000xi32, #tpu.memory_space<hbm>>
      %dma_wait3A_91 = arith.constant 0 : i32
      %dma_wait3A_92 = tpu.memref_slice %arg9[%dma_wait3A_91] : memref<5008xi32, #tpu.memory_space<vmem>> -> memref<5000xi32, #tpu.memory_space<vmem>>
      %dma_wait3A_93 = tpu.memref_slice %arg3[%mul3A_2] : memref<160000xi32, #tpu.memory_space<hbm>> -> memref<5000xi32, #tpu.memory_space<hbm>>
      tpu.wait_dma2 semaphore(%run_scoped3A : memref<!tpu.dma_semaphore, #tpu.memory_space<semaphore_mem>>) src(%dma_wait3A_93 : memref<5000xi32, #tpu.memory_space<hbm>>) dst(%dma_wait3A_92 : memref<5000xi32, #tpu.memory_space<vmem>>)
      tpu.yield
    }) : () -> ()
    "tpu.region"() ({
      %run_scoped3A = tpu.sem_alloc : memref<!tpu.dma_semaphore, #tpu.memory_space<semaphore_mem>>
      %dma_start3A = arith.constant 0 : i32
      %dma_start3A_84 = tpu.memref_slice %arg10[%dma_start3A] : memref<5008xi32, #tpu.memory_space<vmem>> -> memref<5000xi32, #tpu.memory_space<vmem>>
      %dma_start3A_85 = tpu.memref_slice %arg4[%mul3A_2] : memref<160000xi32, #tpu.memory_space<hbm>> -> memref<5000xi32, #tpu.memory_space<hbm>>
      %dma_start3A_86 = arith.constant 0 : i32
      %dma_start3A_87 = tpu.memref_slice %arg10[%dma_start3A_86] : memref<5008xi32, #tpu.memory_space<vmem>> -> memref<5000xi32, #tpu.memory_space<vmem>>
      %dma_start3A_88 = tpu.memref_slice %arg4[%mul3A_2] : memref<160000xi32, #tpu.memory_space<hbm>> -> memref<5000xi32, #tpu.memory_space<hbm>>
      tpu.enqueue_dma source(%dma_start3A_88 : memref<5000xi32, #tpu.memory_space<hbm>>) target(%dma_start3A_87 : memref<5000xi32, #tpu.memory_space<vmem>>) target_semaphore(%run_scoped3A : memref<!tpu.dma_semaphore, #tpu.memory_space<semaphore_mem>>)
      %dma_wait3A = arith.constant 0 : i32
      %dma_wait3A_89 = tpu.memref_slice %arg10[%dma_wait3A] : memref<5008xi32, #tpu.memory_space<vmem>> -> memref<5000xi32, #tpu.memory_space<vmem>>
      %dma_wait3A_90 = tpu.memref_slice %arg4[%mul3A_2] : memref<160000xi32, #tpu.memory_space<hbm>> -> memref<5000xi32, #tpu.memory_space<hbm>>
      %dma_wait3A_91 = arith.constant 0 : i32
      %dma_wait3A_92 = tpu.memref_slice %arg10[%dma_wait3A_91] : memref<5008xi32, #tpu.memory_space<vmem>> -> memref<5000xi32, #tpu.memory_space<vmem>>
      %dma_wait3A_93 = tpu.memref_slice %arg4[%mul3A_2] : memref<160000xi32, #tpu.memory_space<hbm>> -> memref<5000xi32, #tpu.memory_space<hbm>>
      tpu.wait_dma2 semaphore(%run_scoped3A : memref<!tpu.dma_semaphore, #tpu.memory_space<semaphore_mem>>) src(%dma_wait3A_93 : memref<5000xi32, #tpu.memory_space<hbm>>) dst(%dma_wait3A_92 : memref<5000xi32, #tpu.memory_space<vmem>>)
      tpu.yield
    }) : () -> ()
    %broadcast_in_dim3A = arith.constant 0.000000e+00 : f32
    %broadcast_in_dim3A_3 = vector.broadcast %broadcast_in_dim3A : f32 to vector<16xf32>
    %broadcast_in_dim3A_4 = arith.constant 1.000000e+00 : f32
    %broadcast_in_dim3A_5 = vector.broadcast %broadcast_in_dim3A_4 : f32 to vector<16xf32>
    %get3A = arith.constant 0 : index
    %get3A_6 = tpu.vector_load %arg10[%get3A] {strides = array<i32>} : memref<5008xi32, #tpu.memory_space<vmem>>, vector<16xi32>,
    %reduce_min3A = arith.constant true
    %reduce_min3A_7 = vector.broadcast %reduce_min3A : i1 to vector<16xi1>
    %reduce_min3A_8 = arith.constant -2147483648 : i32
    %reduce_min3A_9 = vector.broadcast %reduce_min3A_8 : i32 to vector<16xi32>
    %reduce_min3A_10 = arith.xori %get3A_6, %reduce_min3A_9 : vector<16xi32>
    %reduce_min3A_11 = tpu.scan <min>, %reduce_min3A_10 masked %reduce_min3A_7 : vector<16xi32>, vector<16xi1> -> vector<16xi32>
    %reduce_min3A_12 = arith.xori %reduce_min3A_11, %reduce_min3A_9 : vector<16xi32>
    %reduce_min3A_13 = vector.extract %reduce_min3A_12[15] : i32 from vector<16xi32>
    %shift_right_logical3A = arith.constant 7 : i32
    %shift_right_logical3A_14 = arith.shrui %reduce_min3A_13, %shift_right_logical3A : i32
    %get3A_15 = arith.constant 4984 : index
    %get3A_16 = tpu.vector_load %arg10[%get3A_15] {strides = array<i32>} : memref<5008xi32, #tpu.memory_space<vmem>>, vector<16xi32>,
    %reduce_max3A = arith.constant true
    %reduce_max3A_17 = vector.broadcast %reduce_max3A : i1 to vector<16xi1>
    %reduce_max3A_18 = arith.constant -2147483648 : i32
    %reduce_max3A_19 = vector.broadcast %reduce_max3A_18 : i32 to vector<16xi32>
    %reduce_max3A_20 = arith.xori %get3A_16, %reduce_max3A_19 : vector<16xi32>
    %reduce_max3A_21 = tpu.scan <max>, %reduce_max3A_20 masked %reduce_max3A_17 : vector<16xi32>, vector<16xi1> -> vector<16xi32>
    %reduce_max3A_22 = arith.xori %reduce_max3A_21, %reduce_max3A_19 : vector<16xi32>
    %reduce_max3A_23 = vector.extract %reduce_max3A_22[15] : i32 from vector<16xi32>
    %shift_right_logical3A_24 = arith.constant 7 : i32
    %shift_right_logical3A_25 = arith.shrui %reduce_max3A_23, %shift_right_logical3A_24 : i32
    %add3A_26 = arith.constant 1 : i32
    %add3A_27 = arith.addi %shift_right_logical3A_25, %add3A_26 : i32
    %while3A = arith.constant 0 : i32
    %while3A_28 = arith.subi %add3A_27, %shift_right_logical3A_14 : i32
    %while3A_29 = arith.addi %shift_right_logical3A_14, %while3A_28 : i32
    %while3A_30 = arith.constant 1 : i32
    %while3A_31 = arith.divsi %while3A_28, %while3A_30 : i32
    %while3A_32 = arith.muli %while3A_31, %while3A_30 : i32
    %while3A_33 = arith.addi %shift_right_logical3A_14, %while3A_32 : i32
    %while3A_34 = arith.constant 1 : i32
    scf.for %while3A_84 = %shift_right_logical3A_14 to %while3A_33 step %while3A_34  : i32 {
      %swap3A_85 = arith.index_cast %while3A_84 : i32 to index
      %swap3A_86 = arith.constant 0 : index
      %swap3A_87 = tpu.vector_load %arg11[%swap3A_85, %swap3A_86] {strides = array<i32>} : memref<160x128xf32, #tpu.memory_space<vmem>>, vector<16xf32>,
      tpu.vector_store %arg11[%swap3A_85, %swap3A_86], %broadcast_in_dim3A_3 {strides = array<i32>} : memref<160x128xf32, #tpu.memory_space<vmem>>, vector<16xf32>,
      %swap3A_88 = arith.index_cast %while3A_84 : i32 to index
      %swap3A_89 = arith.constant 0 : index
      %swap3A_90 = tpu.vector_load %arg12[%swap3A_88, %swap3A_89] {strides = array<i32>} : memref<160x128xf32, #tpu.memory_space<vmem>>, vector<16xf32>,
      tpu.vector_store %arg12[%swap3A_88, %swap3A_89], %broadcast_in_dim3A_3 {strides = array<i32>} : memref<160x128xf32, #tpu.memory_space<vmem>>, vector<16xf32>,
      %swap3A_91 = arith.index_cast %while3A_84 : i32 to index
      %swap3A_92 = arith.constant 16 : index
      %swap3A_93 = tpu.vector_load %arg11[%swap3A_91, %swap3A_92] {strides = array<i32>} : memref<160x128xf32, #tpu.memory_space<vmem>>, vector<16xf32>,
      tpu.vector_store %arg11[%swap3A_91, %swap3A_92], %broadcast_in_dim3A_3 {strides = array<i32>} : memref<160x128xf32, #tpu.memory_space<vmem>>, vector<16xf32>,
      %swap3A_94 = arith.index_cast %while3A_84 : i32 to index
      %swap3A_95 = arith.constant 16 : index
      %swap3A_96 = tpu.vector_load %arg12[%swap3A_94, %swap3A_95] {strides = array<i32>} : memref<160x128xf32, #tpu.memory_space<vmem>>, vector<16xf32>,
      tpu.vector_store %arg12[%swap3A_94, %swap3A_95], %broadcast_in_dim3A_3 {strides = array<i32>} : memref<160x128xf32, #tpu.memory_space<vmem>>, vector<16xf32>,
      %swap3A_97 = arith.index_cast %while3A_84 : i32 to index
      %swap3A_98 = arith.constant 32 : index
      %swap3A_99 = tpu.vector_load %arg11[%swap3A_97, %swap3A_98] {strides = array<i32>} : memref<160x128xf32, #tpu.memory_space<vmem>>, vector<16xf32>,
      tpu.vector_store %arg11[%swap3A_97, %swap3A_98], %broadcast_in_dim3A_3 {strides = array<i32>} : memref<160x128xf32, #tpu.memory_space<vmem>>, vector<16xf32>,
      %swap3A_100 = arith.index_cast %while3A_84 : i32 to index
      %swap3A_101 = arith.constant 32 : index
      %swap3A_102 = tpu.vector_load %arg12[%swap3A_100, %swap3A_101] {strides = array<i32>} : memref<160x128xf32, #tpu.memory_space<vmem>>, vector<16xf32>,
      tpu.vector_store %arg12[%swap3A_100, %swap3A_101], %broadcast_in_dim3A_3 {strides = array<i32>} : memref<160x128xf32, #tpu.memory_space<vmem>>, vector<16xf32>,
      %swap3A_103 = arith.index_cast %while3A_84 : i32 to index
      %swap3A_104 = arith.constant 48 : index
      %swap3A_105 = tpu.vector_load %arg11[%swap3A_103, %swap3A_104] {strides = array<i32>} : memref<160x128xf32, #tpu.memory_space<vmem>>, vector<16xf32>,
      tpu.vector_store %arg11[%swap3A_103, %swap3A_104], %broadcast_in_dim3A_3 {strides = array<i32>} : memref<160x128xf32, #tpu.memory_space<vmem>>, vector<16xf32>,
      %swap3A_106 = arith.index_cast %while3A_84 : i32 to index
      %swap3A_107 = arith.constant 48 : index
      %swap3A_108 = tpu.vector_load %arg12[%swap3A_106, %swap3A_107] {strides = array<i32>} : memref<160x128xf32, #tpu.memory_space<vmem>>, vector<16xf32>,
      tpu.vector_store %arg12[%swap3A_106, %swap3A_107], %broadcast_in_dim3A_3 {strides = array<i32>} : memref<160x128xf32, #tpu.memory_space<vmem>>, vector<16xf32>,
      %swap3A_109 = arith.index_cast %while3A_84 : i32 to index
      %swap3A_110 = arith.constant 64 : index
      %swap3A_111 = tpu.vector_load %arg11[%swap3A_109, %swap3A_110] {strides = array<i32>} : memref<160x128xf32, #tpu.memory_space<vmem>>, vector<16xf32>,
      tpu.vector_store %arg11[%swap3A_109, %swap3A_110], %broadcast_in_dim3A_3 {strides = array<i32>} : memref<160x128xf32, #tpu.memory_space<vmem>>, vector<16xf32>,
      %swap3A_112 = arith.index_cast %while3A_84 : i32 to index
      %swap3A_113 = arith.constant 64 : index
      %swap3A_114 = tpu.vector_load %arg12[%swap3A_112, %swap3A_113] {strides = array<i32>} : memref<160x128xf32, #tpu.memory_space<vmem>>, vector<16xf32>,
      tpu.vector_store %arg12[%swap3A_112, %swap3A_113], %broadcast_in_dim3A_3 {strides = array<i32>} : memref<160x128xf32, #tpu.memory_space<vmem>>, vector<16xf32>,
      %swap3A_115 = arith.index_cast %while3A_84 : i32 to index
      %swap3A_116 = arith.constant 80 : index
      %swap3A_117 = tpu.vector_load %arg11[%swap3A_115, %swap3A_116] {strides = array<i32>} : memref<160x128xf32, #tpu.memory_space<vmem>>, vector<16xf32>,
      tpu.vector_store %arg11[%swap3A_115, %swap3A_116], %broadcast_in_dim3A_3 {strides = array<i32>} : memref<160x128xf32, #tpu.memory_space<vmem>>, vector<16xf32>,
      %swap3A_118 = arith.index_cast %while3A_84 : i32 to index
      %swap3A_119 = arith.constant 80 : index
      %swap3A_120 = tpu.vector_load %arg12[%swap3A_118, %swap3A_119] {strides = array<i32>} : memref<160x128xf32, #tpu.memory_space<vmem>>, vector<16xf32>,
      tpu.vector_store %arg12[%swap3A_118, %swap3A_119], %broadcast_in_dim3A_3 {strides = array<i32>} : memref<160x128xf32, #tpu.memory_space<vmem>>, vector<16xf32>,
      %swap3A_121 = arith.index_cast %while3A_84 : i32 to index
      %swap3A_122 = arith.constant 96 : index
      %swap3A_123 = tpu.vector_load %arg11[%swap3A_121, %swap3A_122] {strides = array<i32>} : memref<160x128xf32, #tpu.memory_space<vmem>>, vector<16xf32>,
      tpu.vector_store %arg11[%swap3A_121, %swap3A_122], %broadcast_in_dim3A_3 {strides = array<i32>} : memref<160x128xf32, #tpu.memory_space<vmem>>, vector<16xf32>,
      %swap3A_124 = arith.index_cast %while3A_84 : i32 to index
      %swap3A_125 = arith.constant 96 : index
      %swap3A_126 = tpu.vector_load %arg12[%swap3A_124, %swap3A_125] {strides = array<i32>} : memref<160x128xf32, #tpu.memory_space<vmem>>, vector<16xf32>,
      tpu.vector_store %arg12[%swap3A_124, %swap3A_125], %broadcast_in_dim3A_3 {strides = array<i32>} : memref<160x128xf32, #tpu.memory_space<vmem>>, vector<16xf32>,
      %swap3A_127 = arith.index_cast %while3A_84 : i32 to index
      %swap3A_128 = arith.constant 112 : index
      %swap3A_129 = tpu.vector_load %arg11[%swap3A_127, %swap3A_128] {strides = array<i32>} : memref<160x128xf32, #tpu.memory_space<vmem>>, vector<16xf32>,
      tpu.vector_store %arg11[%swap3A_127, %swap3A_128], %broadcast_in_dim3A_3 {strides = array<i32>} : memref<160x128xf32, #tpu.memory_space<vmem>>, vector<16xf32>,
      %swap3A_130 = arith.index_cast %while3A_84 : i32 to index
      %swap3A_131 = arith.constant 112 : index
      %swap3A_132 = tpu.vector_load %arg12[%swap3A_130, %swap3A_131] {strides = array<i32>} : memref<160x128xf32, #tpu.memory_space<vmem>>, vector<16xf32>,
      tpu.vector_store %arg12[%swap3A_130, %swap3A_131], %broadcast_in_dim3A_3 {strides = array<i32>} : memref<160x128xf32, #tpu.memory_space<vmem>>, vector<16xf32>,
    }
    %while3A_35 = arith.constant 1 : i32
    scf.for %while3A_84 = %while3A_33 to %while3A_29 step %while3A_35  : i32 {
      %swap3A_85 = arith.index_cast %while3A_84 : i32 to index
      %swap3A_86 = arith.constant 0 : index
      %swap3A_87 = tpu.vector_load %arg11[%swap3A_85, %swap3A_86] {strides = array<i32>} : memref<160x128xf32, #tpu.memory_space<vmem>>, vector<16xf32>,
      tpu.vector_store %arg11[%swap3A_85, %swap3A_86], %broadcast_in_dim3A_3 {strides = array<i32>} : memref<160x128xf32, #tpu.memory_space<vmem>>, vector<16xf32>,
      %swap3A_88 = arith.index_cast %while3A_84 : i32 to index
      %swap3A_89 = arith.constant 0 : index
      %swap3A_90 = tpu.vector_load %arg12[%swap3A_88, %swap3A_89] {strides = array<i32>} : memref<160x128xf32, #tpu.memory_space<vmem>>, vector<16xf32>,
      tpu.vector_store %arg12[%swap3A_88, %swap3A_89], %broadcast_in_dim3A_3 {strides = array<i32>} : memref<160x128xf32, #tpu.memory_space<vmem>>, vector<16xf32>,
      %swap3A_91 = arith.index_cast %while3A_84 : i32 to index
      %swap3A_92 = arith.constant 16 : index
      %swap3A_93 = tpu.vector_load %arg11[%swap3A_91, %swap3A_92] {strides = array<i32>} : memref<160x128xf32, #tpu.memory_space<vmem>>, vector<16xf32>,
      tpu.vector_store %arg11[%swap3A_91, %swap3A_92], %broadcast_in_dim3A_3 {strides = array<i32>} : memref<160x128xf32, #tpu.memory_space<vmem>>, vector<16xf32>,
      %swap3A_94 = arith.index_cast %while3A_84 : i32 to index
      %swap3A_95 = arith.constant 16 : index
      %swap3A_96 = tpu.vector_load %arg12[%swap3A_94, %swap3A_95] {strides = array<i32>} : memref<160x128xf32, #tpu.memory_space<vmem>>, vector<16xf32>,
      tpu.vector_store %arg12[%swap3A_94, %swap3A_95], %broadcast_in_dim3A_3 {strides = array<i32>} : memref<160x128xf32, #tpu.memory_space<vmem>>, vector<16xf32>,
      %swap3A_97 = arith.index_cast %while3A_84 : i32 to index
      %swap3A_98 = arith.constant 32 : index
      %swap3A_99 = tpu.vector_load %arg11[%swap3A_97, %swap3A_98] {strides = array<i32>} : memref<160x128xf32, #tpu.memory_space<vmem>>, vector<16xf32>,
      tpu.vector_store %arg11[%swap3A_97, %swap3A_98], %broadcast_in_dim3A_3 {strides = array<i32>} : memref<160x128xf32, #tpu.memory_space<vmem>>, vector<16xf32>,
      %swap3A_100 = arith.index_cast %while3A_84 : i32 to index
      %swap3A_101 = arith.constant 32 : index
      %swap3A_102 = tpu.vector_load %arg12[%swap3A_100, %swap3A_101] {strides = array<i32>} : memref<160x128xf32, #tpu.memory_space<vmem>>, vector<16xf32>,
      tpu.vector_store %arg12[%swap3A_100, %swap3A_101], %broadcast_in_dim3A_3 {strides = array<i32>} : memref<160x128xf32, #tpu.memory_space<vmem>>, vector<16xf32>,
      %swap3A_103 = arith.index_cast %while3A_84 : i32 to index
      %swap3A_104 = arith.constant 48 : index
      %swap3A_105 = tpu.vector_load %arg11[%swap3A_103, %swap3A_104] {strides = array<i32>} : memref<160x128xf32, #tpu.memory_space<vmem>>, vector<16xf32>,
      tpu.vector_store %arg11[%swap3A_103, %swap3A_104], %broadcast_in_dim3A_3 {strides = array<i32>} : memref<160x128xf32, #tpu.memory_space<vmem>>, vector<16xf32>,
      %swap3A_106 = arith.index_cast %while3A_84 : i32 to index
      %swap3A_107 = arith.constant 48 : index
      %swap3A_108 = tpu.vector_load %arg12[%swap3A_106, %swap3A_107] {strides = array<i32>} : memref<160x128xf32, #tpu.memory_space<vmem>>, vector<16xf32>,
      tpu.vector_store %arg12[%swap3A_106, %swap3A_107], %broadcast_in_dim3A_3 {strides = array<i32>} : memref<160x128xf32, #tpu.memory_space<vmem>>, vector<16xf32>,
      %swap3A_109 = arith.index_cast %while3A_84 : i32 to index
      %swap3A_110 = arith.constant 64 : index
      %swap3A_111 = tpu.vector_load %arg11[%swap3A_109, %swap3A_110] {strides = array<i32>} : memref<160x128xf32, #tpu.memory_space<vmem>>, vector<16xf32>,
      tpu.vector_store %arg11[%swap3A_109, %swap3A_110], %broadcast_in_dim3A_3 {strides = array<i32>} : memref<160x128xf32, #tpu.memory_space<vmem>>, vector<16xf32>,
      %swap3A_112 = arith.index_cast %while3A_84 : i32 to index
      %swap3A_113 = arith.constant 64 : index
      %swap3A_114 = tpu.vector_load %arg12[%swap3A_112, %swap3A_113] {strides = array<i32>} : memref<160x128xf32, #tpu.memory_space<vmem>>, vector<16xf32>,
      tpu.vector_store %arg12[%swap3A_112, %swap3A_113], %broadcast_in_dim3A_3 {strides = array<i32>} : memref<160x128xf32, #tpu.memory_space<vmem>>, vector<16xf32>,
      %swap3A_115 = arith.index_cast %while3A_84 : i32 to index
      %swap3A_116 = arith.constant 80 : index
      %swap3A_117 = tpu.vector_load %arg11[%swap3A_115, %swap3A_116] {strides = array<i32>} : memref<160x128xf32, #tpu.memory_space<vmem>>, vector<16xf32>,
      tpu.vector_store %arg11[%swap3A_115, %swap3A_116], %broadcast_in_dim3A_3 {strides = array<i32>} : memref<160x128xf32, #tpu.memory_space<vmem>>, vector<16xf32>,
      %swap3A_118 = arith.index_cast %while3A_84 : i32 to index
      %swap3A_119 = arith.constant 80 : index
      %swap3A_120 = tpu.vector_load %arg12[%swap3A_118, %swap3A_119] {strides = array<i32>} : memref<160x128xf32, #tpu.memory_space<vmem>>, vector<16xf32>,
      tpu.vector_store %arg12[%swap3A_118, %swap3A_119], %broadcast_in_dim3A_3 {strides = array<i32>} : memref<160x128xf32, #tpu.memory_space<vmem>>, vector<16xf32>,
      %swap3A_121 = arith.index_cast %while3A_84 : i32 to index
      %swap3A_122 = arith.constant 96 : index
      %swap3A_123 = tpu.vector_load %arg11[%swap3A_121, %swap3A_122] {strides = array<i32>} : memref<160x128xf32, #tpu.memory_space<vmem>>, vector<16xf32>,
      tpu.vector_store %arg11[%swap3A_121, %swap3A_122], %broadcast_in_dim3A_3 {strides = array<i32>} : memref<160x128xf32, #tpu.memory_space<vmem>>, vector<16xf32>,
      %swap3A_124 = arith.index_cast %while3A_84 : i32 to index
      %swap3A_125 = arith.constant 96 : index
      %swap3A_126 = tpu.vector_load %arg12[%swap3A_124, %swap3A_125] {strides = array<i32>} : memref<160x128xf32, #tpu.memory_space<vmem>>, vector<16xf32>,
      tpu.vector_store %arg12[%swap3A_124, %swap3A_125], %broadcast_in_dim3A_3 {strides = array<i32>} : memref<160x128xf32, #tpu.memory_space<vmem>>, vector<16xf32>,
      %swap3A_127 = arith.index_cast %while3A_84 : i32 to index
      %swap3A_128 = arith.constant 112 : index
      %swap3A_129 = tpu.vector_load %arg11[%swap3A_127, %swap3A_128] {strides = array<i32>} : memref<160x128xf32, #tpu.memory_space<vmem>>, vector<16xf32>,
      tpu.vector_store %arg11[%swap3A_127, %swap3A_128], %broadcast_in_dim3A_3 {strides = array<i32>} : memref<160x128xf32, #tpu.memory_space<vmem>>, vector<16xf32>,
      %swap3A_130 = arith.index_cast %while3A_84 : i32 to index
      %swap3A_131 = arith.constant 112 : index
      %swap3A_132 = tpu.vector_load %arg12[%swap3A_130, %swap3A_131] {strides = array<i32>} : memref<160x128xf32, #tpu.memory_space<vmem>>, vector<16xf32>,
      tpu.vector_store %arg12[%swap3A_130, %swap3A_131], %broadcast_in_dim3A_3 {strides = array<i32>} : memref<160x128xf32, #tpu.memory_space<vmem>>, vector<16xf32>,
    }
    tpu.wait_dma2 semaphore(%arg14 : memref<!tpu.dma_semaphore, #tpu.memory_space<semaphore_mem>>) src(%arg2 : memref<80x128xf32, #tpu.memory_space<hbm>>) dst(%arg8 : memref<80x128xf32, #tpu.memory_space<vmem>>)
    %scan3A = arith.constant 0 : i32
    %scan3A_36 = arith.constant 0 : i32
    %scan3A_37 = arith.constant 78 : i32
    %scan3A_38 = arith.addi %scan3A_36, %scan3A_37 : i32
    %scan3A_39 = arith.constant 1 : i32
    scf.for %scan3A_84 = %scan3A_36 to %scan3A_38 step %scan3A_39  : i32 {
      %mul3A_85 = arith.constant 64 : i32
      %mul3A_86 = arith.muli %scan3A_84, %mul3A_85 : i32
      %add3A_87 = arith.constant 0 : i32
      %add3A_88 = arith.addi %mul3A_86, %add3A_87 : i32
      %get3A_89 = arith.index_cast %add3A_88 : i32 to index
      %get3A_90 = tpu.vector_load %arg9[%get3A_89] {strides = array<i32>} : memref<5008xi32, #tpu.memory_space<vmem>>, vector<16xi32>,
      %get3A_91 = arith.index_cast %add3A_88 : i32 to index
      %get3A_92 = tpu.vector_load %arg10[%get3A_91] {strides = array<i32>} : memref<5008xi32, #tpu.memory_space<vmem>>, vector<16xi32>,
      %shift_right_logical3A_93 = arith.constant 7 : i32
      %shift_right_logical3A_94 = vector.broadcast %shift_right_logical3A_93 : i32 to vector<16xi32>
      %shift_right_logical3A_95 = arith.shrui %get3A_92, %shift_right_logical3A_94 : vector<16xi32>
      %and3A_96 = arith.constant 127 : i32
      %and3A_97 = vector.broadcast %and3A_96 : i32 to vector<16xi32>
      %and3A_98 = arith.andi %get3A_92, %and3A_97 : vector<16xi32>
      %shift_right_logical3A_99 = arith.constant 7 : i32
      %shift_right_logical3A_100 = vector.broadcast %shift_right_logical3A_99 : i32 to vector<16xi32>
      %shift_right_logical3A_101 = arith.shrui %get3A_90, %shift_right_logical3A_100 : vector<16xi32>
      %and3A_102 = arith.constant 127 : i32
      %and3A_103 = vector.broadcast %and3A_102 : i32 to vector<16xi32>
      %and3A_104 = arith.andi %get3A_90, %and3A_103 : vector<16xi32>
      %gather3A_105 = tpu.vector_load_idx %arg8[%shift_right_logical3A_101, %and3A_104] : memref<80x128xf32, #tpu.memory_space<vmem>>[vector<16xi32>, vector<16xi32>], vector<16xf32>,
      tpu.vector_store_idx %arg11[%shift_right_logical3A_95, %and3A_98], %gather3A_105 {add = true} : memref<160x128xf32, #tpu.memory_space<vmem>>[vector<16xi32>, vector<16xi32>], vector<16xf32>,
      tpu.vector_store_idx %arg12[%shift_right_logical3A_95, %and3A_98], %broadcast_in_dim3A_5 {add = true} : memref<160x128xf32, #tpu.memory_space<vmem>>[vector<16xi32>, vector<16xi32>], vector<16xf32>,
      %mul3A_106 = arith.constant 64 : i32
      %mul3A_107 = arith.muli %scan3A_84, %mul3A_106 : i32
      %add3A_108 = arith.constant 16 : i32
      %add3A_109 = arith.addi %mul3A_107, %add3A_108 : i32
      %get3A_110 = arith.index_cast %add3A_109 : i32 to index
      %get3A_111 = tpu.vector_load %arg9[%get3A_110] {strides = array<i32>} : memref<5008xi32, #tpu.memory_space<vmem>>, vector<16xi32>,
      %get3A_112 = arith.index_cast %add3A_109 : i32 to index
      %get3A_113 = tpu.vector_load %arg10[%get3A_112] {strides = array<i32>} : memref<5008xi32, #tpu.memory_space<vmem>>, vector<16xi32>,
      %shift_right_logical3A_114 = arith.constant 7 : i32
      %shift_right_logical3A_115 = vector.broadcast %shift_right_logical3A_114 : i32 to vector<16xi32>
      %shift_right_logical3A_116 = arith.shrui %get3A_113, %shift_right_logical3A_115 : vector<16xi32>
      %and3A_117 = arith.constant 127 : i32
      %and3A_118 = vector.broadcast %and3A_117 : i32 to vector<16xi32>
      %and3A_119 = arith.andi %get3A_113, %and3A_118 : vector<16xi32>
      %shift_right_logical3A_120 = arith.constant 7 : i32
      %shift_right_logical3A_121 = vector.broadcast %shift_right_logical3A_120 : i32 to vector<16xi32>
      %shift_right_logical3A_122 = arith.shrui %get3A_111, %shift_right_logical3A_121 : vector<16xi32>
      %and3A_123 = arith.constant 127 : i32
      %and3A_124 = vector.broadcast %and3A_123 : i32 to vector<16xi32>
      %and3A_125 = arith.andi %get3A_111, %and3A_124 : vector<16xi32>
      %gather3A_126 = tpu.vector_load_idx %arg8[%shift_right_logical3A_122, %and3A_125] : memref<80x128xf32, #tpu.memory_space<vmem>>[vector<16xi32>, vector<16xi32>], vector<16xf32>,
      tpu.vector_store_idx %arg11[%shift_right_logical3A_116, %and3A_119], %gather3A_126 {add = true} : memref<160x128xf32, #tpu.memory_space<vmem>>[vector<16xi32>, vector<16xi32>], vector<16xf32>,
      tpu.vector_store_idx %arg12[%shift_right_logical3A_116, %and3A_119], %broadcast_in_dim3A_5 {add = true} : memref<160x128xf32, #tpu.memory_space<vmem>>[vector<16xi32>, vector<16xi32>], vector<16xf32>,
      %mul3A_127 = arith.constant 64 : i32
      %mul3A_128 = arith.muli %scan3A_84, %mul3A_127 : i32
      %add3A_129 = arith.constant 32 : i32
      %add3A_130 = arith.addi %mul3A_128, %add3A_129 : i32
      %get3A_131 = arith.index_cast %add3A_130 : i32 to index
      %get3A_132 = tpu.vector_load %arg9[%get3A_131] {strides = array<i32>} : memref<5008xi32, #tpu.memory_space<vmem>>, vector<16xi32>,
      %get3A_133 = arith.index_cast %add3A_130 : i32 to index
      %get3A_134 = tpu.vector_load %arg10[%get3A_133] {strides = array<i32>} : memref<5008xi32, #tpu.memory_space<vmem>>, vector<16xi32>,
      %shift_right_logical3A_135 = arith.constant 7 : i32
      %shift_right_logical3A_136 = vector.broadcast %shift_right_logical3A_135 : i32 to vector<16xi32>
      %shift_right_logical3A_137 = arith.shrui %get3A_134, %shift_right_logical3A_136 : vector<16xi32>
      %and3A_138 = arith.constant 127 : i32
      %and3A_139 = vector.broadcast %and3A_138 : i32 to vector<16xi32>
      %and3A_140 = arith.andi %get3A_134, %and3A_139 : vector<16xi32>
      %shift_right_logical3A_141 = arith.constant 7 : i32
      %shift_right_logical3A_142 = vector.broadcast %shift_right_logical3A_141 : i32 to vector<16xi32>
      %shift_right_logical3A_143 = arith.shrui %get3A_132, %shift_right_logical3A_142 : vector<16xi32>
      %and3A_144 = arith.constant 127 : i32
      %and3A_145 = vector.broadcast %and3A_144 : i32 to vector<16xi32>
      %and3A_146 = arith.andi %get3A_132, %and3A_145 : vector<16xi32>
      %gather3A_147 = tpu.vector_load_idx %arg8[%shift_right_logical3A_143, %and3A_146] : memref<80x128xf32, #tpu.memory_space<vmem>>[vector<16xi32>, vector<16xi32>], vector<16xf32>,
      tpu.vector_store_idx %arg11[%shift_right_logical3A_137, %and3A_140], %gather3A_147 {add = true} : memref<160x128xf32, #tpu.memory_space<vmem>>[vector<16xi32>, vector<16xi32>], vector<16xf32>,
      tpu.vector_store_idx %arg12[%shift_right_logical3A_137, %and3A_140], %broadcast_in_dim3A_5 {add = true} : memref<160x128xf32, #tpu.memory_space<vmem>>[vector<16xi32>, vector<16xi32>], vector<16xf32>,
      %mul3A_148 = arith.constant 64 : i32
      %mul3A_149 = arith.muli %scan3A_84, %mul3A_148 : i32
      %add3A_150 = arith.constant 48 : i32
      %add3A_151 = arith.addi %mul3A_149, %add3A_150 : i32
      %get3A_152 = arith.index_cast %add3A_151 : i32 to index
      %get3A_153 = tpu.vector_load %arg9[%get3A_152] {strides = array<i32>} : memref<5008xi32, #tpu.memory_space<vmem>>, vector<16xi32>,
      %get3A_154 = arith.index_cast %add3A_151 : i32 to index
      %get3A_155 = tpu.vector_load %arg10[%get3A_154] {strides = array<i32>} : memref<5008xi32, #tpu.memory_space<vmem>>, vector<16xi32>,
      %shift_right_logical3A_156 = arith.constant 7 : i32
      %shift_right_logical3A_157 = vector.broadcast %shift_right_logical3A_156 : i32 to vector<16xi32>
      %shift_right_logical3A_158 = arith.shrui %get3A_155, %shift_right_logical3A_157 : vector<16xi32>
      %and3A_159 = arith.constant 127 : i32
      %and3A_160 = vector.broadcast %and3A_159 : i32 to vector<16xi32>
      %and3A_161 = arith.andi %get3A_155, %and3A_160 : vector<16xi32>
      %shift_right_logical3A_162 = arith.constant 7 : i32
      %shift_right_logical3A_163 = vector.broadcast %shift_right_logical3A_162 : i32 to vector<16xi32>
      %shift_right_logical3A_164 = arith.shrui %get3A_153, %shift_right_logical3A_163 : vector<16xi32>
      %and3A_165 = arith.constant 127 : i32
      %and3A_166 = vector.broadcast %and3A_165 : i32 to vector<16xi32>
      %and3A_167 = arith.andi %get3A_153, %and3A_166 : vector<16xi32>
      %gather3A_168 = tpu.vector_load_idx %arg8[%shift_right_logical3A_164, %and3A_167] : memref<80x128xf32, #tpu.memory_space<vmem>>[vector<16xi32>, vector<16xi32>], vector<16xf32>,
      tpu.vector_store_idx %arg11[%shift_right_logical3A_158, %and3A_161], %gather3A_168 {add = true} : memref<160x128xf32, #tpu.memory_space<vmem>>[vector<16xi32>, vector<16xi32>], vector<16xf32>,
      tpu.vector_store_idx %arg12[%shift_right_logical3A_158, %and3A_161], %broadcast_in_dim3A_5 {add = true} : memref<160x128xf32, #tpu.memory_space<vmem>>[vector<16xi32>, vector<16xi32>], vector<16xf32>,
    }
    %scan3A_40 = arith.constant 78 : i32
    %iota3A = tpu.iota {dimensions = array<i32: 0>} : vector<16xi32>
    %lt3A = arith.constant 8 : i32
    %lt3A_41 = vector.broadcast %lt3A : i32 to vector<16xi32>
    %lt3A_42 = arith.cmpi slt, %iota3A, %lt3A_41 : vector<16xi32>
    %get3A_43 = arith.constant 4992 : index
    %get3A_44 = tpu.vector_load %arg9[%get3A_43] {strides = array<i32>} : memref<5008xi32, #tpu.memory_space<vmem>>, vector<16xi32>,
    %jit3A = arith.constant 0 : i32
    %broadcast_in_dim3A_45 = vector.broadcast %jit3A : i32 to vector<16xi32>
    %select_n3A = arith.select %lt3A_42, %get3A_44, %broadcast_in_dim3A_45 : vector<16xi1>, vector<16xi32>
    %get3A_46 = arith.constant 4992 : index
    %get3A_47 = tpu.vector_load %arg10[%get3A_46] {strides = array<i32>} : memref<5008xi32, #tpu.memory_space<vmem>>, vector<16xi32>,
    %jit3A_48 = arith.constant 0 : i32
    %broadcast_in_dim3A_49 = vector.broadcast %jit3A_48 : i32 to vector<16xi32>
    %select_n3A_50 = arith.select %lt3A_42, %get3A_47, %broadcast_in_dim3A_49 : vector<16xi1>, vector<16xi32>
    %shift_right_logical3A_51 = arith.constant 7 : i32
    %shift_right_logical3A_52 = vector.broadcast %shift_right_logical3A_51 : i32 to vector<16xi32>
    %shift_right_logical3A_53 = arith.shrui %select_n3A_50, %shift_right_logical3A_52 : vector<16xi32>
    %and3A = arith.constant 127 : i32
    %and3A_54 = vector.broadcast %and3A : i32 to vector<16xi32>
    %and3A_55 = arith.andi %select_n3A_50, %and3A_54 : vector<16xi32>
    %shift_right_logical3A_56 = arith.constant 7 : i32
    %shift_right_logical3A_57 = vector.broadcast %shift_right_logical3A_56 : i32 to vector<16xi32>
    %shift_right_logical3A_58 = arith.shrui %select_n3A, %shift_right_logical3A_57 : vector<16xi32>
    %and3A_59 = arith.constant 127 : i32
    %and3A_60 = vector.broadcast %and3A_59 : i32 to vector<16xi32>
    %and3A_61 = arith.andi %select_n3A, %and3A_60 : vector<16xi32>
    %gather3A = tpu.vector_load_idx %arg8[%shift_right_logical3A_58, %and3A_61] : memref<80x128xf32, #tpu.memory_space<vmem>>[vector<16xi32>, vector<16xi32>], vector<16xf32>,
    tpu.vector_store_idx %arg11[%shift_right_logical3A_53, %and3A_55], %gather3A masked %lt3A_42 {add = true} : memref<160x128xf32, #tpu.memory_space<vmem>>[vector<16xi32>, vector<16xi32>], vector<16xf32>, vector<16xi1>
    tpu.vector_store_idx %arg12[%shift_right_logical3A_53, %and3A_55], %broadcast_in_dim3A_5 masked %lt3A_42 {add = true} : memref<160x128xf32, #tpu.memory_space<vmem>>[vector<16xi32>, vector<16xi32>], vector<16xf32>, vector<16xi1>
    %and3A_62 = arith.constant -8 : i32
    %and3A_63 = arith.andi %shift_right_logical3A_14, %and3A_62 : i32
    %min3A = arith.constant 144 : i32
    %min3A_64 = arith.minsi %and3A_63, %min3A : i32
    %multiple_of3A = tpu.assume_multiple %min3A_64, 8 : i32
    %add3A_65 = arith.constant 1 : i32
    %add3A_66 = arith.addi %shift_right_logical3A_25, %add3A_65 : i32
    %sub3A = arith.subi %add3A_66, %multiple_of3A : i32
    %le3A = arith.constant 16 : i32
    %le3A_67 = arith.cmpi sle, %sub3A, %le3A : i32
    %convert_element_type3A = arith.extui %le3A_67 : i1 to i32
    %cond3A = arith.constant 0 : i32
    %cond3A_68 = arith.constant 0 : i32
    %cond3A_69 = arith.cmpi ne, %convert_element_type3A, %cond3A_68 : i32
    %cond3A_70 = scf.if %cond3A_69 -> (i32) {
      "tpu.region"() ({
        %run_scoped3A = tpu.sem_alloc : memref<!tpu.dma_semaphore, #tpu.memory_space<semaphore_mem>>
        %dma_start3A = arith.constant 0 : i32
        %dma_start3A_85 = tpu.memref_slice %arg11[%multiple_of3A, %dma_start3A] : memref<160x128xf32, #tpu.memory_space<vmem>> -> memref<16x128xf32, #tpu.memory_space<vmem>>
        %dma_start3A_86 = arith.constant 0 : i32
        %dma_start3A_87 = tpu.memref_slice %arg5[%add3A, %multiple_of3A, %dma_start3A_86] : memref<32x160x128xf32, #tpu.memory_space<hbm>> -> memref<1x16x128xf32, #tpu.memory_space<hbm>>
        %dma_start3A_88 = tpu.memref_squeeze %dma_start3A_87 : memref<1x16x128xf32, #tpu.memory_space<hbm>> -> memref<16x128xf32, #tpu.memory_space<hbm>>
        %dma_start3A_89 = arith.constant 0 : i32
        %dma_start3A_90 = tpu.memref_slice %arg5[%add3A, %multiple_of3A, %dma_start3A_89] : memref<32x160x128xf32, #tpu.memory_space<hbm>> -> memref<1x16x128xf32, #tpu.memory_space<hbm>>
        %dma_start3A_91 = tpu.memref_squeeze %dma_start3A_90 : memref<1x16x128xf32, #tpu.memory_space<hbm>> -> memref<16x128xf32, #tpu.memory_space<hbm>>
        %dma_start3A_92 = arith.constant 0 : i32
        %dma_start3A_93 = tpu.memref_slice %arg11[%multiple_of3A, %dma_start3A_92] : memref<160x128xf32, #tpu.memory_space<vmem>> -> memref<16x128xf32, #tpu.memory_space<vmem>>
        tpu.enqueue_dma source(%dma_start3A_93 : memref<16x128xf32, #tpu.memory_space<vmem>>) target(%dma_start3A_91 : memref<16x128xf32, #tpu.memory_space<hbm>>) target_semaphore(%run_scoped3A : memref<!tpu.dma_semaphore, #tpu.memory_space<semaphore_mem>>)
        %dma_wait3A = arith.constant 0 : i32
        %dma_wait3A_94 = tpu.memref_slice %arg11[%multiple_of3A, %dma_wait3A] : memref<160x128xf32, #tpu.memory_space<vmem>> -> memref<16x128xf32, #tpu.memory_space<vmem>>
        %dma_wait3A_95 = arith.constant 0 : i32
        %dma_wait3A_96 = tpu.memref_slice %arg5[%add3A, %multiple_of3A, %dma_wait3A_95] : memref<32x160x128xf32, #tpu.memory_space<hbm>> -> memref<1x16x128xf32, #tpu.memory_space<hbm>>
        %dma_wait3A_97 = tpu.memref_squeeze %dma_wait3A_96 : memref<1x16x128xf32, #tpu.memory_space<hbm>> -> memref<16x128xf32, #tpu.memory_space<hbm>>
        %dma_wait3A_98 = arith.constant 0 : i32
        %dma_wait3A_99 = tpu.memref_slice %arg5[%add3A, %multiple_of3A, %dma_wait3A_98] : memref<32x160x128xf32, #tpu.memory_space<hbm>> -> memref<1x16x128xf32, #tpu.memory_space<hbm>>
        %dma_wait3A_100 = tpu.memref_squeeze %dma_wait3A_99 : memref<1x16x128xf32, #tpu.memory_space<hbm>> -> memref<16x128xf32, #tpu.memory_space<hbm>>
        %dma_wait3A_101 = arith.constant 0 : i32
        %dma_wait3A_102 = tpu.memref_slice %arg11[%multiple_of3A, %dma_wait3A_101] : memref<160x128xf32, #tpu.memory_space<vmem>> -> memref<16x128xf32, #tpu.memory_space<vmem>>
        tpu.wait_dma2 semaphore(%run_scoped3A : memref<!tpu.dma_semaphore, #tpu.memory_space<semaphore_mem>>) src(%dma_wait3A_102 : memref<16x128xf32, #tpu.memory_space<vmem>>) dst(%dma_wait3A_100 : memref<16x128xf32, #tpu.memory_space<hbm>>)
        tpu.yield
      }) : () -> ()
      "tpu.region"() ({
        %run_scoped3A = tpu.sem_alloc : memref<!tpu.dma_semaphore, #tpu.memory_space<semaphore_mem>>
        %dma_start3A = arith.constant 0 : i32
        %dma_start3A_85 = tpu.memref_slice %arg12[%multiple_of3A, %dma_start3A] : memref<160x128xf32, #tpu.memory_space<vmem>> -> memref<16x128xf32, #tpu.memory_space<vmem>>
        %dma_start3A_86 = arith.constant 0 : i32
        %dma_start3A_87 = tpu.memref_slice %arg6[%add3A, %multiple_of3A, %dma_start3A_86] : memref<32x160x128xf32, #tpu.memory_space<hbm>> -> memref<1x16x128xf32, #tpu.memory_space<hbm>>
        %dma_start3A_88 = tpu.memref_squeeze %dma_start3A_87 : memref<1x16x128xf32, #tpu.memory_space<hbm>> -> memref<16x128xf32, #tpu.memory_space<hbm>>
        %dma_start3A_89 = arith.constant 0 : i32
        %dma_start3A_90 = tpu.memref_slice %arg6[%add3A, %multiple_of3A, %dma_start3A_89] : memref<32x160x128xf32, #tpu.memory_space<hbm>> -> memref<1x16x128xf32, #tpu.memory_space<hbm>>
        %dma_start3A_91 = tpu.memref_squeeze %dma_start3A_90 : memref<1x16x128xf32, #tpu.memory_space<hbm>> -> memref<16x128xf32, #tpu.memory_space<hbm>>
        %dma_start3A_92 = arith.constant 0 : i32
        %dma_start3A_93 = tpu.memref_slice %arg12[%multiple_of3A, %dma_start3A_92] : memref<160x128xf32, #tpu.memory_space<vmem>> -> memref<16x128xf32, #tpu.memory_space<vmem>>
        tpu.enqueue_dma source(%dma_start3A_93 : memref<16x128xf32, #tpu.memory_space<vmem>>) target(%dma_start3A_91 : memref<16x128xf32, #tpu.memory_space<hbm>>) target_semaphore(%run_scoped3A : memref<!tpu.dma_semaphore, #tpu.memory_space<semaphore_mem>>)
        %dma_wait3A = arith.constant 0 : i32
        %dma_wait3A_94 = tpu.memref_slice %arg12[%multiple_of3A, %dma_wait3A] : memref<160x128xf32, #tpu.memory_space<vmem>> -> memref<16x128xf32, #tpu.memory_space<vmem>>
        %dma_wait3A_95 = arith.constant 0 : i32
        %dma_wait3A_96 = tpu.memref_slice %arg6[%add3A, %multiple_of3A, %dma_wait3A_95] : memref<32x160x128xf32, #tpu.memory_space<hbm>> -> memref<1x16x128xf32, #tpu.memory_space<hbm>>
        %dma_wait3A_97 = tpu.memref_squeeze %dma_wait3A_96 : memref<1x16x128xf32, #tpu.memory_space<hbm>> -> memref<16x128xf32, #tpu.memory_space<hbm>>
        %dma_wait3A_98 = arith.constant 0 : i32
        %dma_wait3A_99 = tpu.memref_slice %arg6[%add3A, %multiple_of3A, %dma_wait3A_98] : memref<32x160x128xf32, #tpu.memory_space<hbm>> -> memref<1x16x128xf32, #tpu.memory_space<hbm>>
        %dma_wait3A_100 = tpu.memref_squeeze %dma_wait3A_99 : memref<1x16x128xf32, #tpu.memory_space<hbm>> -> memref<16x128xf32, #tpu.memory_space<hbm>>
        %dma_wait3A_101 = arith.constant 0 : i32
        %dma_wait3A_102 = tpu.memref_slice %arg12[%multiple_of3A, %dma_wait3A_101] : memref<160x128xf32, #tpu.memory_space<vmem>> -> memref<16x128xf32, #tpu.memory_space<vmem>>
        tpu.wait_dma2 semaphore(%run_scoped3A : memref<!tpu.dma_semaphore, #tpu.memory_space<semaphore_mem>>) src(%dma_wait3A_102 : memref<16x128xf32, #tpu.memory_space<vmem>>) dst(%dma_wait3A_100 : memref<16x128xf32, #tpu.memory_space<hbm>>)
        tpu.yield
      }) : () -> ()
      %cond3A_84 = arith.constant 0 : i32
      scf.yield %cond3A_84 : i32
    } else {
      "tpu.region"() ({
        %run_scoped3A = tpu.sem_alloc : memref<!tpu.dma_semaphore, #tpu.memory_space<semaphore_mem>>
        %dma_start3A = arith.constant 0 : i32
        %dma_start3A_85 = arith.constant 0 : i32
        %dma_start3A_86 = tpu.memref_slice %arg5[%add3A, %dma_start3A, %dma_start3A_85] : memref<32x160x128xf32, #tpu.memory_space<hbm>> -> memref<1x160x128xf32, #tpu.memory_space<hbm>>
        %dma_start3A_87 = tpu.memref_squeeze %dma_start3A_86 : memref<1x160x128xf32, #tpu.memory_space<hbm>> -> memref<160x128xf32, #tpu.memory_space<hbm>>
        %dma_start3A_88 = arith.constant 0 : i32
        %dma_start3A_89 = arith.constant 0 : i32
        %dma_start3A_90 = tpu.memref_slice %arg5[%add3A, %dma_start3A_88, %dma_start3A_89] : memref<32x160x128xf32, #tpu.memory_space<hbm>> -> memref<1x160x128xf32, #tpu.memory_space<hbm>>
        %dma_start3A_91 = tpu.memref_squeeze %dma_start3A_90 : memref<1x160x128xf32, #tpu.memory_space<hbm>> -> memref<160x128xf32, #tpu.memory_space<hbm>>
        tpu.enqueue_dma source(%arg11 : memref<160x128xf32, #tpu.memory_space<vmem>>) target(%dma_start3A_91 : memref<160x128xf32, #tpu.memory_space<hbm>>) target_semaphore(%run_scoped3A : memref<!tpu.dma_semaphore, #tpu.memory_space<semaphore_mem>>)
        %dma_wait3A = arith.constant 0 : i32
        %dma_wait3A_92 = arith.constant 0 : i32
        %dma_wait3A_93 = tpu.memref_slice %arg5[%add3A, %dma_wait3A, %dma_wait3A_92] : memref<32x160x128xf32, #tpu.memory_space<hbm>> -> memref<1x160x128xf32, #tpu.memory_space<hbm>>
        %dma_wait3A_94 = tpu.memref_squeeze %dma_wait3A_93 : memref<1x160x128xf32, #tpu.memory_space<hbm>> -> memref<160x128xf32, #tpu.memory_space<hbm>>
        %dma_wait3A_95 = arith.constant 0 : i32
        %dma_wait3A_96 = arith.constant 0 : i32
        %dma_wait3A_97 = tpu.memref_slice %arg5[%add3A, %dma_wait3A_95, %dma_wait3A_96] : memref<32x160x128xf32, #tpu.memory_space<hbm>> -> memref<1x160x128xf32, #tpu.memory_space<hbm>>
        %dma_wait3A_98 = tpu.memref_squeeze %dma_wait3A_97 : memref<1x160x128xf32, #tpu.memory_space<hbm>> -> memref<160x128xf32, #tpu.memory_space<hbm>>
        tpu.wait_dma2 semaphore(%run_scoped3A : memref<!tpu.dma_semaphore, #tpu.memory_space<semaphore_mem>>) src(%arg11 : memref<160x128xf32, #tpu.memory_space<vmem>>) dst(%dma_wait3A_98 : memref<160x128xf32, #tpu.memory_space<hbm>>)
        tpu.yield
      }) : () -> ()
      "tpu.region"() ({
        %run_scoped3A = tpu.sem_alloc : memref<!tpu.dma_semaphore, #tpu.memory_space<semaphore_mem>>
        %dma_start3A = arith.constant 0 : i32
        %dma_start3A_85 = arith.constant 0 : i32
        %dma_start3A_86 = tpu.memref_slice %arg6[%add3A, %dma_start3A, %dma_start3A_85] : memref<32x160x128xf32, #tpu.memory_space<hbm>> -> memref<1x160x128xf32, #tpu.memory_space<hbm>>
        %dma_start3A_87 = tpu.memref_squeeze %dma_start3A_86 : memref<1x160x128xf32, #tpu.memory_space<hbm>> -> memref<160x128xf32, #tpu.memory_space<hbm>>
        %dma_start3A_88 = arith.constant 0 : i32
        %dma_start3A_89 = arith.constant 0 : i32
        %dma_start3A_90 = tpu.memref_slice %arg6[%add3A, %dma_start3A_88, %dma_start3A_89] : memref<32x160x128xf32, #tpu.memory_space<hbm>> -> memref<1x160x128xf32, #tpu.memory_space<hbm>>
        %dma_start3A_91 = tpu.memref_squeeze %dma_start3A_90 : memref<1x160x128xf32, #tpu.memory_space<hbm>> -> memref<160x128xf32, #tpu.memory_space<hbm>>
        tpu.enqueue_dma source(%arg12 : memref<160x128xf32, #tpu.memory_space<vmem>>) target(%dma_start3A_91 : memref<160x128xf32, #tpu.memory_space<hbm>>) target_semaphore(%run_scoped3A : memref<!tpu.dma_semaphore, #tpu.memory_space<semaphore_mem>>)
        %dma_wait3A = arith.constant 0 : i32
        %dma_wait3A_92 = arith.constant 0 : i32
        %dma_wait3A_93 = tpu.memref_slice %arg6[%add3A, %dma_wait3A, %dma_wait3A_92] : memref<32x160x128xf32, #tpu.memory_space<hbm>> -> memref<1x160x128xf32, #tpu.memory_space<hbm>>
        %dma_wait3A_94 = tpu.memref_squeeze %dma_wait3A_93 : memref<1x160x128xf32, #tpu.memory_space<hbm>> -> memref<160x128xf32, #tpu.memory_space<hbm>>
        %dma_wait3A_95 = arith.constant 0 : i32
        %dma_wait3A_96 = arith.constant 0 : i32
        %dma_wait3A_97 = tpu.memref_slice %arg6[%add3A, %dma_wait3A_95, %dma_wait3A_96] : memref<32x160x128xf32, #tpu.memory_space<hbm>> -> memref<1x160x128xf32, #tpu.memory_space<hbm>>
        %dma_wait3A_98 = tpu.memref_squeeze %dma_wait3A_97 : memref<1x160x128xf32, #tpu.memory_space<hbm>> -> memref<160x128xf32, #tpu.memory_space<hbm>>
        tpu.wait_dma2 semaphore(%run_scoped3A : memref<!tpu.dma_semaphore, #tpu.memory_space<semaphore_mem>>) src(%arg12 : memref<160x128xf32, #tpu.memory_space<vmem>>) dst(%dma_wait3A_98 : memref<160x128xf32, #tpu.memory_space<hbm>>)
        tpu.yield
      }) : () -> ()
      %cond3A_84 = arith.constant 0 : i32
      scf.yield %cond3A_84 : i32
    }
    %iota3A_71 = tpu.iota {dimensions = array<i32: 0>} : vector<16xi32>
    %eq3A = arith.constant 0 : i32
    %eq3A_72 = vector.broadcast %eq3A : i32 to vector<16xi32>
    %eq3A_73 = arith.cmpi eq, %iota3A_71, %eq3A_72 : vector<16xi32>
    %eq3A_74 = arith.constant 1 : i32
    %eq3A_75 = vector.broadcast %eq3A_74 : i32 to vector<16xi32>
    %eq3A_76 = arith.cmpi eq, %iota3A_71, %eq3A_75 : vector<16xi32>
    %jit3A_77 = arith.constant 0 : i32
    %broadcast_in_dim3A_78 = vector.broadcast %shift_right_logical3A_25 : i32 to vector<16xi32>
    %broadcast_in_dim3A_79 = vector.broadcast %jit3A_77 : i32 to vector<16xi32>
    %select_n3A_80 = arith.select %eq3A_76, %broadcast_in_dim3A_78, %broadcast_in_dim3A_79 : vector<16xi1>, vector<16xi32>
    %broadcast_in_dim3A_81 = vector.broadcast %shift_right_logical3A_14 : i32 to vector<16xi32>
    %select_n3A_82 = arith.select %eq3A_73, %broadcast_in_dim3A_81, %select_n3A_80 : vector<16xi1>, vector<16xi32>
    %swap3A = arith.constant 0 : index
    %swap3A_83 = tpu.vector_load %arg13[%swap3A] {strides = array<i32>} : memref<16xi32, #tpu.memory_space<vmem>>, vector<16xi32>,
    tpu.vector_store %arg13[%swap3A], %select_n3A_82 {strides = array<i32>} : memref<16xi32, #tpu.memory_space<vmem>>, vector<16xi32>,
    "tpu.region"() ({
      %run_scoped3A = tpu.sem_alloc : memref<!tpu.dma_semaphore, #tpu.memory_space<semaphore_mem>>
      %dma_start3A = arith.constant 0 : i32
      %dma_start3A_84 = tpu.memref_slice %arg7[%add3A, %dma_start3A] : memref<32x16xi32, #tpu.memory_space<hbm>> -> memref<1x16xi32, #tpu.memory_space<hbm>>
      %dma_start3A_85 = tpu.memref_squeeze %dma_start3A_84 : memref<1x16xi32, #tpu.memory_space<hbm>> -> memref<16xi32, #tpu.memory_space<hbm>>
      %dma_start3A_86 = arith.constant 0 : i32
      %dma_start3A_87 = tpu.memref_slice %arg7[%add3A, %dma_start3A_86] : memref<32x16xi32, #tpu.memory_space<hbm>> -> memref<1x16xi32, #tpu.memory_space<hbm>>
      %dma_start3A_88 = tpu.memref_squeeze %dma_start3A_87 : memref<1x16xi32, #tpu.memory_space<hbm>> -> memref<16xi32, #tpu.memory_space<hbm>>
      tpu.enqueue_dma source(%arg13 : memref<16xi32, #tpu.memory_space<vmem>>) target(%dma_start3A_88 : memref<16xi32, #tpu.memory_space<hbm>>) target_semaphore(%run_scoped3A : memref<!tpu.dma_semaphore, #tpu.memory_space<semaphore_mem>>)
      %dma_wait3A = arith.constant 0 : i32
      %dma_wait3A_89 = tpu.memref_slice %arg7[%add3A, %dma_wait3A] : memref<32x16xi32, #tpu.memory_space<hbm>> -> memref<1x16xi32, #tpu.memory_space<hbm>>
      %dma_wait3A_90 = tpu.memref_squeeze %dma_wait3A_89 : memref<1x16xi32, #tpu.memory_space<hbm>> -> memref<16xi32, #tpu.memory_space<hbm>>
      %dma_wait3A_91 = arith.constant 0 : i32
      %dma_wait3A_92 = tpu.memref_slice %arg7[%add3A, %dma_wait3A_91] : memref<32x16xi32, #tpu.memory_space<hbm>> -> memref<1x16xi32, #tpu.memory_space<hbm>>
      %dma_wait3A_93 = tpu.memref_squeeze %dma_wait3A_92 : memref<1x16xi32, #tpu.memory_space<hbm>> -> memref<16xi32, #tpu.memory_space<hbm>>
      tpu.wait_dma2 semaphore(%run_scoped3A : memref<!tpu.dma_semaphore, #tpu.memory_space<semaphore_mem>>) src(%arg13 : memref<16xi32, #tpu.memory_space<vmem>>) dst(%dma_wait3A_93 : memref<16xi32, #tpu.memory_space<hbm>>)
      tpu.yield
    }) : () -> ()
    return
  }
}

module attributes {stable_mosaic.version = 14 : i64} {
  func.func @_matvec_body(%arg0: i32, %arg1: memref<1024x256xf32, #tpu.memory_space<vmem>>, %arg2: memref<256x1xf32, #tpu.memory_space<vmem>>, %arg3: memref<8x128xf32, #tpu.memory_space<vmem>>) attributes {dimension_semantics = [#tpu.dimension_semantics<arbitrary>], iteration_bounds = array<i64: 10>, scalar_prefetch = 0 : i64, scratch_operands = 0 : i64, tpu.core_type = #tpu.core_type<tc>, window_params = [{transform_indices = @transform_0, window_bounds = array<i64: 1024, 256>}, {pipeline_mode = #tpu.pipeline_mode<synchronous>, transform_indices = @transform_1, window_bounds = array<i64: 256, 1>}, {transform_indices = @transform_2, window_bounds = array<i64: 8, 128>}]} {
    %get3A = arith.constant 0 : index
    %get3A_0 = arith.constant 0 : index
    %get3A_1 = vector.load %arg1[%get3A, %get3A_0] : memref<1024x256xf32, #tpu.memory_space<vmem>>, vector<1024x256xf32>
    %get3A_2 = arith.constant 0 : index
    %get3A_3 = arith.constant 0 : index
    %get3A_4 = vector.load %arg2[%get3A_2, %get3A_3] : memref<256x1xf32, #tpu.memory_space<vmem>>, vector<256x1xf32>
    %dot_general3A = arith.constant dense<0.000000e+00> : vector<1024x1xf32>
    %dot_general3A_5 = tpu.matmul %get3A_1, %get3A_4, %dot_general3A {dimension_numbers = #tpu.dot_dimension_numbers<[1], [0], [0], [1], [0, 0, 1, 1], [], []>, transpose_lhs_hint = false} : vector<1024x256xf32>, vector<256x1xf32>, vector<1024x1xf32> -> vector<1024x1xf32>
    %reshape3A = vector.shape_cast %dot_general3A_5 : vector<1024x1xf32> to vector<8x128xf32>
    %swap3A = arith.constant 0 : index
    %swap3A_6 = arith.constant 0 : index
    %swap3A_7 = vector.load %arg3[%swap3A, %swap3A_6] : memref<8x128xf32, #tpu.memory_space<vmem>>, vector<8x128xf32>
    tpu.vector_store %arg3[%swap3A, %swap3A_6], %reshape3A {strides = array<i32>} : memref<8x128xf32, #tpu.memory_space<vmem>>, vector<8x128xf32>,
    return
  }
  func.func @transform_0(%arg0: i32) -> (i32, i32) {
    %c0_i32 = arith.constant 0 : i32
    %c0_i32_0 = arith.constant 0 : i32
    return %arg0, %c0_i32 : i32, i32
  }
  func.func @transform_1(%arg0: i32) -> (i32, i32) {
    %c0_i32 = arith.constant 0 : i32
    %c0_i32_0 = arith.constant 0 : i32
    %c0_i32_1 = arith.constant 0 : i32
    return %c0_i32, %c0_i32_0 : i32, i32
  }
  func.func @transform_2(%arg0: i32) -> (i32, i32) {
    %c0_i32 = arith.constant 0 : i32
    %c0_i32_0 = arith.constant 0 : i32
    return %arg0, %c0_i32 : i32, i32
  }
}

module attributes {stable_mosaic.version = 14 : i64} {
  func.func @_finalize_body(%arg0: memref<32x160x128xf32, #tpu.memory_space<vmem>>, %arg1: memref<32x160x128xf32, #tpu.memory_space<vmem>>, %arg2: memref<32x16xi32, #tpu.memory_space<smem>>, %arg3: memref<1x1xf32, #tpu.memory_space<smem>>, %arg4: memref<160x128xf32, #tpu.memory_space<vmem>>) attributes {dimension_semantics = [], scalar_prefetch = 0 : i64, scratch_operands = 0 : i64, tpu.core_type = #tpu.core_type<tc>} {
    %iota3A = tpu.iota {dimensions = array<i32: 0>} : vector<160x128xi32>
    %broadcast_in_dim3A = arith.constant 0.000000e+00 : f32
    %broadcast_in_dim3A_0 = vector.broadcast %broadcast_in_dim3A : f32 to vector<160x128xf32>
    %broadcast_in_dim3A_1 = arith.constant 0.000000e+00 : f32
    %broadcast_in_dim3A_2 = vector.broadcast %broadcast_in_dim3A_1 : f32 to vector<160x128xf32>
    %get3A = arith.constant 0 : index
    %get3A_3 = arith.constant 0 : index
    %get3A_4 = memref.load %arg2[%get3A, %get3A_3] : memref<32x16xi32, #tpu.memory_space<smem>>
    %ge3A = vector.broadcast %get3A_4 : i32 to vector<160x128xi32>
    %ge3A_5 = arith.cmpi sge, %iota3A, %ge3A : vector<160x128xi32>
    %get3A_6 = arith.constant 0 : index
    %get3A_7 = arith.constant 1 : index
    %get3A_8 = memref.load %arg2[%get3A_6, %get3A_7] : memref<32x16xi32, #tpu.memory_space<smem>>
    %le3A = vector.broadcast %get3A_8 : i32 to vector<160x128xi32>
    %le3A_9 = arith.cmpi sle, %iota3A, %le3A : vector<160x128xi32>
    %and3A = arith.andi %ge3A_5, %le3A_9 : vector<160x128xi1>
    %get3A_10 = arith.constant 0 : index
    %get3A_11 = arith.constant 0 : index
    %get3A_12 = arith.constant 0 : index
    %get3A_13 = vector.load %arg0[%get3A_10, %get3A_11, %get3A_12] : memref<32x160x128xf32, #tpu.memory_space<vmem>>, vector<1x160x128xf32>
    %get3A_14 = vector.shape_cast %get3A_13 : vector<1x160x128xf32> to vector<160x128xf32>
    %jit3A = arith.constant 0.000000e+00 : f32
    %broadcast_in_dim3A_15 = vector.broadcast %jit3A : f32 to vector<160x128xf32>
    %select_n3A = arith.select %and3A, %get3A_14, %broadcast_in_dim3A_15 : vector<160x128xi1>, vector<160x128xf32>
    %add3A = arith.addf %broadcast_in_dim3A_0, %select_n3A : vector<160x128xf32>
    %get3A_16 = arith.constant 0 : index
    %get3A_17 = arith.constant 0 : index
    %get3A_18 = arith.constant 0 : index
    %get3A_19 = vector.load %arg1[%get3A_16, %get3A_17, %get3A_18] : memref<32x160x128xf32, #tpu.memory_space<vmem>>, vector<1x160x128xf32>
    %get3A_20 = vector.shape_cast %get3A_19 : vector<1x160x128xf32> to vector<160x128xf32>
    %jit3A_21 = arith.constant 0.000000e+00 : f32
    %broadcast_in_dim3A_22 = vector.broadcast %jit3A_21 : f32 to vector<160x128xf32>
    %select_n3A_23 = arith.select %and3A, %get3A_20, %broadcast_in_dim3A_22 : vector<160x128xi1>, vector<160x128xf32>
    %add3A_24 = arith.addf %broadcast_in_dim3A_2, %select_n3A_23 : vector<160x128xf32>
    %get3A_25 = arith.constant 1 : index
    %get3A_26 = arith.constant 0 : index
    %get3A_27 = memref.load %arg2[%get3A_25, %get3A_26] : memref<32x16xi32, #tpu.memory_space<smem>>
    %ge3A_28 = vector.broadcast %get3A_27 : i32 to vector<160x128xi32>
    %ge3A_29 = arith.cmpi sge, %iota3A, %ge3A_28 : vector<160x128xi32>
    %get3A_30 = arith.constant 1 : index
    %get3A_31 = arith.constant 1 : index
    %get3A_32 = memref.load %arg2[%get3A_30, %get3A_31] : memref<32x16xi32, #tpu.memory_space<smem>>
    %le3A_33 = vector.broadcast %get3A_32 : i32 to vector<160x128xi32>
    %le3A_34 = arith.cmpi sle, %iota3A, %le3A_33 : vector<160x128xi32>
    %and3A_35 = arith.andi %ge3A_29, %le3A_34 : vector<160x128xi1>
    %get3A_36 = arith.constant 1 : index
    %get3A_37 = arith.constant 0 : index
    %get3A_38 = arith.constant 0 : index
    %get3A_39 = vector.load %arg0[%get3A_36, %get3A_37, %get3A_38] : memref<32x160x128xf32, #tpu.memory_space<vmem>>, vector<1x160x128xf32>
    %get3A_40 = vector.shape_cast %get3A_39 : vector<1x160x128xf32> to vector<160x128xf32>
    %jit3A_41 = arith.constant 0.000000e+00 : f32
    %broadcast_in_dim3A_42 = vector.broadcast %jit3A_41 : f32 to vector<160x128xf32>
    %select_n3A_43 = arith.select %and3A_35, %get3A_40, %broadcast_in_dim3A_42 : vector<160x128xi1>, vector<160x128xf32>
    %add3A_44 = arith.addf %add3A, %select_n3A_43 : vector<160x128xf32>
    %get3A_45 = arith.constant 1 : index
    %get3A_46 = arith.constant 0 : index
    %get3A_47 = arith.constant 0 : index
    %get3A_48 = vector.load %arg1[%get3A_45, %get3A_46, %get3A_47] : memref<32x160x128xf32, #tpu.memory_space<vmem>>, vector<1x160x128xf32>
    %get3A_49 = vector.shape_cast %get3A_48 : vector<1x160x128xf32> to vector<160x128xf32>
    %jit3A_50 = arith.constant 0.000000e+00 : f32
    %broadcast_in_dim3A_51 = vector.broadcast %jit3A_50 : f32 to vector<160x128xf32>
    %select_n3A_52 = arith.select %and3A_35, %get3A_49, %broadcast_in_dim3A_51 : vector<160x128xi1>, vector<160x128xf32>
    %add3A_53 = arith.addf %add3A_24, %select_n3A_52 : vector<160x128xf32>
    %get3A_54 = arith.constant 2 : index
    %get3A_55 = arith.constant 0 : index
    %get3A_56 = memref.load %arg2[%get3A_54, %get3A_55] : memref<32x16xi32, #tpu.memory_space<smem>>
    %ge3A_57 = vector.broadcast %get3A_56 : i32 to vector<160x128xi32>
    %ge3A_58 = arith.cmpi sge, %iota3A, %ge3A_57 : vector<160x128xi32>
    %get3A_59 = arith.constant 2 : index
    %get3A_60 = arith.constant 1 : index
    %get3A_61 = memref.load %arg2[%get3A_59, %get3A_60] : memref<32x16xi32, #tpu.memory_space<smem>>
    %le3A_62 = vector.broadcast %get3A_61 : i32 to vector<160x128xi32>
    %le3A_63 = arith.cmpi sle, %iota3A, %le3A_62 : vector<160x128xi32>
    %and3A_64 = arith.andi %ge3A_58, %le3A_63 : vector<160x128xi1>
    %get3A_65 = arith.constant 2 : index
    %get3A_66 = arith.constant 0 : index
    %get3A_67 = arith.constant 0 : index
    %get3A_68 = vector.load %arg0[%get3A_65, %get3A_66, %get3A_67] : memref<32x160x128xf32, #tpu.memory_space<vmem>>, vector<1x160x128xf32>
    %get3A_69 = vector.shape_cast %get3A_68 : vector<1x160x128xf32> to vector<160x128xf32>
    %jit3A_70 = arith.constant 0.000000e+00 : f32
    %broadcast_in_dim3A_71 = vector.broadcast %jit3A_70 : f32 to vector<160x128xf32>
    %select_n3A_72 = arith.select %and3A_64, %get3A_69, %broadcast_in_dim3A_71 : vector<160x128xi1>, vector<160x128xf32>
    %add3A_73 = arith.addf %add3A_44, %select_n3A_72 : vector<160x128xf32>
    %get3A_74 = arith.constant 2 : index
    %get3A_75 = arith.constant 0 : index
    %get3A_76 = arith.constant 0 : index
    %get3A_77 = vector.load %arg1[%get3A_74, %get3A_75, %get3A_76] : memref<32x160x128xf32, #tpu.memory_space<vmem>>, vector<1x160x128xf32>
    %get3A_78 = vector.shape_cast %get3A_77 : vector<1x160x128xf32> to vector<160x128xf32>
    %jit3A_79 = arith.constant 0.000000e+00 : f32
    %broadcast_in_dim3A_80 = vector.broadcast %jit3A_79 : f32 to vector<160x128xf32>
    %select_n3A_81 = arith.select %and3A_64, %get3A_78, %broadcast_in_dim3A_80 : vector<160x128xi1>, vector<160x128xf32>
    %add3A_82 = arith.addf %add3A_53, %select_n3A_81 : vector<160x128xf32>
    %get3A_83 = arith.constant 3 : index
    %get3A_84 = arith.constant 0 : index
    %get3A_85 = memref.load %arg2[%get3A_83, %get3A_84] : memref<32x16xi32, #tpu.memory_space<smem>>
    %ge3A_86 = vector.broadcast %get3A_85 : i32 to vector<160x128xi32>
    %ge3A_87 = arith.cmpi sge, %iota3A, %ge3A_86 : vector<160x128xi32>
    %get3A_88 = arith.constant 3 : index
    %get3A_89 = arith.constant 1 : index
    %get3A_90 = memref.load %arg2[%get3A_88, %get3A_89] : memref<32x16xi32, #tpu.memory_space<smem>>
    %le3A_91 = vector.broadcast %get3A_90 : i32 to vector<160x128xi32>
    %le3A_92 = arith.cmpi sle, %iota3A, %le3A_91 : vector<160x128xi32>
    %and3A_93 = arith.andi %ge3A_87, %le3A_92 : vector<160x128xi1>
    %get3A_94 = arith.constant 3 : index
    %get3A_95 = arith.constant 0 : index
    %get3A_96 = arith.constant 0 : index
    %get3A_97 = vector.load %arg0[%get3A_94, %get3A_95, %get3A_96] : memref<32x160x128xf32, #tpu.memory_space<vmem>>, vector<1x160x128xf32>
    %get3A_98 = vector.shape_cast %get3A_97 : vector<1x160x128xf32> to vector<160x128xf32>
    %jit3A_99 = arith.constant 0.000000e+00 : f32
    %broadcast_in_dim3A_100 = vector.broadcast %jit3A_99 : f32 to vector<160x128xf32>
    %select_n3A_101 = arith.select %and3A_93, %get3A_98, %broadcast_in_dim3A_100 : vector<160x128xi1>, vector<160x128xf32>
    %add3A_102 = arith.addf %add3A_73, %select_n3A_101 : vector<160x128xf32>
    %get3A_103 = arith.constant 3 : index
    %get3A_104 = arith.constant 0 : index
    %get3A_105 = arith.constant 0 : index
    %get3A_106 = vector.load %arg1[%get3A_103, %get3A_104, %get3A_105] : memref<32x160x128xf32, #tpu.memory_space<vmem>>, vector<1x160x128xf32>
    %get3A_107 = vector.shape_cast %get3A_106 : vector<1x160x128xf32> to vector<160x128xf32>
    %jit3A_108 = arith.constant 0.000000e+00 : f32
    %broadcast_in_dim3A_109 = vector.broadcast %jit3A_108 : f32 to vector<160x128xf32>
    %select_n3A_110 = arith.select %and3A_93, %get3A_107, %broadcast_in_dim3A_109 : vector<160x128xi1>, vector<160x128xf32>
    %add3A_111 = arith.addf %add3A_82, %select_n3A_110 : vector<160x128xf32>
    %get3A_112 = arith.constant 4 : index
    %get3A_113 = arith.constant 0 : index
    %get3A_114 = memref.load %arg2[%get3A_112, %get3A_113] : memref<32x16xi32, #tpu.memory_space<smem>>
    %ge3A_115 = vector.broadcast %get3A_114 : i32 to vector<160x128xi32>
    %ge3A_116 = arith.cmpi sge, %iota3A, %ge3A_115 : vector<160x128xi32>
    %get3A_117 = arith.constant 4 : index
    %get3A_118 = arith.constant 1 : index
    %get3A_119 = memref.load %arg2[%get3A_117, %get3A_118] : memref<32x16xi32, #tpu.memory_space<smem>>
    %le3A_120 = vector.broadcast %get3A_119 : i32 to vector<160x128xi32>
    %le3A_121 = arith.cmpi sle, %iota3A, %le3A_120 : vector<160x128xi32>
    %and3A_122 = arith.andi %ge3A_116, %le3A_121 : vector<160x128xi1>
    %get3A_123 = arith.constant 4 : index
    %get3A_124 = arith.constant 0 : index
    %get3A_125 = arith.constant 0 : index
    %get3A_126 = vector.load %arg0[%get3A_123, %get3A_124, %get3A_125] : memref<32x160x128xf32, #tpu.memory_space<vmem>>, vector<1x160x128xf32>
    %get3A_127 = vector.shape_cast %get3A_126 : vector<1x160x128xf32> to vector<160x128xf32>
    %jit3A_128 = arith.constant 0.000000e+00 : f32
    %broadcast_in_dim3A_129 = vector.broadcast %jit3A_128 : f32 to vector<160x128xf32>
    %select_n3A_130 = arith.select %and3A_122, %get3A_127, %broadcast_in_dim3A_129 : vector<160x128xi1>, vector<160x128xf32>
    %add3A_131 = arith.addf %add3A_102, %select_n3A_130 : vector<160x128xf32>
    %get3A_132 = arith.constant 4 : index
    %get3A_133 = arith.constant 0 : index
    %get3A_134 = arith.constant 0 : index
    %get3A_135 = vector.load %arg1[%get3A_132, %get3A_133, %get3A_134] : memref<32x160x128xf32, #tpu.memory_space<vmem>>, vector<1x160x128xf32>
    %get3A_136 = vector.shape_cast %get3A_135 : vector<1x160x128xf32> to vector<160x128xf32>
    %jit3A_137 = arith.constant 0.000000e+00 : f32
    %broadcast_in_dim3A_138 = vector.broadcast %jit3A_137 : f32 to vector<160x128xf32>
    %select_n3A_139 = arith.select %and3A_122, %get3A_136, %broadcast_in_dim3A_138 : vector<160x128xi1>, vector<160x128xf32>
    %add3A_140 = arith.addf %add3A_111, %select_n3A_139 : vector<160x128xf32>
    %get3A_141 = arith.constant 5 : index
    %get3A_142 = arith.constant 0 : index
    %get3A_143 = memref.load %arg2[%get3A_141, %get3A_142] : memref<32x16xi32, #tpu.memory_space<smem>>
    %ge3A_144 = vector.broadcast %get3A_143 : i32 to vector<160x128xi32>
    %ge3A_145 = arith.cmpi sge, %iota3A, %ge3A_144 : vector<160x128xi32>
    %get3A_146 = arith.constant 5 : index
    %get3A_147 = arith.constant 1 : index
    %get3A_148 = memref.load %arg2[%get3A_146, %get3A_147] : memref<32x16xi32, #tpu.memory_space<smem>>
    %le3A_149 = vector.broadcast %get3A_148 : i32 to vector<160x128xi32>
    %le3A_150 = arith.cmpi sle, %iota3A, %le3A_149 : vector<160x128xi32>
    %and3A_151 = arith.andi %ge3A_145, %le3A_150 : vector<160x128xi1>
    %get3A_152 = arith.constant 5 : index
    %get3A_153 = arith.constant 0 : index
    %get3A_154 = arith.constant 0 : index
    %get3A_155 = vector.load %arg0[%get3A_152, %get3A_153, %get3A_154] : memref<32x160x128xf32, #tpu.memory_space<vmem>>, vector<1x160x128xf32>
    %get3A_156 = vector.shape_cast %get3A_155 : vector<1x160x128xf32> to vector<160x128xf32>
    %jit3A_157 = arith.constant 0.000000e+00 : f32
    %broadcast_in_dim3A_158 = vector.broadcast %jit3A_157 : f32 to vector<160x128xf32>
    %select_n3A_159 = arith.select %and3A_151, %get3A_156, %broadcast_in_dim3A_158 : vector<160x128xi1>, vector<160x128xf32>
    %add3A_160 = arith.addf %add3A_131, %select_n3A_159 : vector<160x128xf32>
    %get3A_161 = arith.constant 5 : index
    %get3A_162 = arith.constant 0 : index
    %get3A_163 = arith.constant 0 : index
    %get3A_164 = vector.load %arg1[%get3A_161, %get3A_162, %get3A_163] : memref<32x160x128xf32, #tpu.memory_space<vmem>>, vector<1x160x128xf32>
    %get3A_165 = vector.shape_cast %get3A_164 : vector<1x160x128xf32> to vector<160x128xf32>
    %jit3A_166 = arith.constant 0.000000e+00 : f32
    %broadcast_in_dim3A_167 = vector.broadcast %jit3A_166 : f32 to vector<160x128xf32>
    %select_n3A_168 = arith.select %and3A_151, %get3A_165, %broadcast_in_dim3A_167 : vector<160x128xi1>, vector<160x128xf32>
    %add3A_169 = arith.addf %add3A_140, %select_n3A_168 : vector<160x128xf32>
    %get3A_170 = arith.constant 6 : index
    %get3A_171 = arith.constant 0 : index
    %get3A_172 = memref.load %arg2[%get3A_170, %get3A_171] : memref<32x16xi32, #tpu.memory_space<smem>>
    %ge3A_173 = vector.broadcast %get3A_172 : i32 to vector<160x128xi32>
    %ge3A_174 = arith.cmpi sge, %iota3A, %ge3A_173 : vector<160x128xi32>
    %get3A_175 = arith.constant 6 : index
    %get3A_176 = arith.constant 1 : index
    %get3A_177 = memref.load %arg2[%get3A_175, %get3A_176] : memref<32x16xi32, #tpu.memory_space<smem>>
    %le3A_178 = vector.broadcast %get3A_177 : i32 to vector<160x128xi32>
    %le3A_179 = arith.cmpi sle, %iota3A, %le3A_178 : vector<160x128xi32>
    %and3A_180 = arith.andi %ge3A_174, %le3A_179 : vector<160x128xi1>
    %get3A_181 = arith.constant 6 : index
    %get3A_182 = arith.constant 0 : index
    %get3A_183 = arith.constant 0 : index
    %get3A_184 = vector.load %arg0[%get3A_181, %get3A_182, %get3A_183] : memref<32x160x128xf32, #tpu.memory_space<vmem>>, vector<1x160x128xf32>
    %get3A_185 = vector.shape_cast %get3A_184 : vector<1x160x128xf32> to vector<160x128xf32>
    %jit3A_186 = arith.constant 0.000000e+00 : f32
    %broadcast_in_dim3A_187 = vector.broadcast %jit3A_186 : f32 to vector<160x128xf32>
    %select_n3A_188 = arith.select %and3A_180, %get3A_185, %broadcast_in_dim3A_187 : vector<160x128xi1>, vector<160x128xf32>
    %add3A_189 = arith.addf %add3A_160, %select_n3A_188 : vector<160x128xf32>
    %get3A_190 = arith.constant 6 : index
    %get3A_191 = arith.constant 0 : index
    %get3A_192 = arith.constant 0 : index
    %get3A_193 = vector.load %arg1[%get3A_190, %get3A_191, %get3A_192] : memref<32x160x128xf32, #tpu.memory_space<vmem>>, vector<1x160x128xf32>
    %get3A_194 = vector.shape_cast %get3A_193 : vector<1x160x128xf32> to vector<160x128xf32>
    %jit3A_195 = arith.constant 0.000000e+00 : f32
    %broadcast_in_dim3A_196 = vector.broadcast %jit3A_195 : f32 to vector<160x128xf32>
    %select_n3A_197 = arith.select %and3A_180, %get3A_194, %broadcast_in_dim3A_196 : vector<160x128xi1>, vector<160x128xf32>
    %add3A_198 = arith.addf %add3A_169, %select_n3A_197 : vector<160x128xf32>
    %get3A_199 = arith.constant 7 : index
    %get3A_200 = arith.constant 0 : index
    %get3A_201 = memref.load %arg2[%get3A_199, %get3A_200] : memref<32x16xi32, #tpu.memory_space<smem>>
    %ge3A_202 = vector.broadcast %get3A_201 : i32 to vector<160x128xi32>
    %ge3A_203 = arith.cmpi sge, %iota3A, %ge3A_202 : vector<160x128xi32>
    %get3A_204 = arith.constant 7 : index
    %get3A_205 = arith.constant 1 : index
    %get3A_206 = memref.load %arg2[%get3A_204, %get3A_205] : memref<32x16xi32, #tpu.memory_space<smem>>
    %le3A_207 = vector.broadcast %get3A_206 : i32 to vector<160x128xi32>
    %le3A_208 = arith.cmpi sle, %iota3A, %le3A_207 : vector<160x128xi32>
    %and3A_209 = arith.andi %ge3A_203, %le3A_208 : vector<160x128xi1>
    %get3A_210 = arith.constant 7 : index
    %get3A_211 = arith.constant 0 : index
    %get3A_212 = arith.constant 0 : index
    %get3A_213 = vector.load %arg0[%get3A_210, %get3A_211, %get3A_212] : memref<32x160x128xf32, #tpu.memory_space<vmem>>, vector<1x160x128xf32>
    %get3A_214 = vector.shape_cast %get3A_213 : vector<1x160x128xf32> to vector<160x128xf32>
    %jit3A_215 = arith.constant 0.000000e+00 : f32
    %broadcast_in_dim3A_216 = vector.broadcast %jit3A_215 : f32 to vector<160x128xf32>
    %select_n3A_217 = arith.select %and3A_209, %get3A_214, %broadcast_in_dim3A_216 : vector<160x128xi1>, vector<160x128xf32>
    %add3A_218 = arith.addf %add3A_189, %select_n3A_217 : vector<160x128xf32>
    %get3A_219 = arith.constant 7 : index
    %get3A_220 = arith.constant 0 : index
    %get3A_221 = arith.constant 0 : index
    %get3A_222 = vector.load %arg1[%get3A_219, %get3A_220, %get3A_221] : memref<32x160x128xf32, #tpu.memory_space<vmem>>, vector<1x160x128xf32>
    %get3A_223 = vector.shape_cast %get3A_222 : vector<1x160x128xf32> to vector<160x128xf32>
    %jit3A_224 = arith.constant 0.000000e+00 : f32
    %broadcast_in_dim3A_225 = vector.broadcast %jit3A_224 : f32 to vector<160x128xf32>
    %select_n3A_226 = arith.select %and3A_209, %get3A_223, %broadcast_in_dim3A_225 : vector<160x128xi1>, vector<160x128xf32>
    %add3A_227 = arith.addf %add3A_198, %select_n3A_226 : vector<160x128xf32>
    %get3A_228 = arith.constant 8 : index
    %get3A_229 = arith.constant 0 : index
    %get3A_230 = memref.load %arg2[%get3A_228, %get3A_229] : memref<32x16xi32, #tpu.memory_space<smem>>
    %ge3A_231 = vector.broadcast %get3A_230 : i32 to vector<160x128xi32>
    %ge3A_232 = arith.cmpi sge, %iota3A, %ge3A_231 : vector<160x128xi32>
    %get3A_233 = arith.constant 8 : index
    %get3A_234 = arith.constant 1 : index
    %get3A_235 = memref.load %arg2[%get3A_233, %get3A_234] : memref<32x16xi32, #tpu.memory_space<smem>>
    %le3A_236 = vector.broadcast %get3A_235 : i32 to vector<160x128xi32>
    %le3A_237 = arith.cmpi sle, %iota3A, %le3A_236 : vector<160x128xi32>
    %and3A_238 = arith.andi %ge3A_232, %le3A_237 : vector<160x128xi1>
    %get3A_239 = arith.constant 8 : index
    %get3A_240 = arith.constant 0 : index
    %get3A_241 = arith.constant 0 : index
    %get3A_242 = vector.load %arg0[%get3A_239, %get3A_240, %get3A_241] : memref<32x160x128xf32, #tpu.memory_space<vmem>>, vector<1x160x128xf32>
    %get3A_243 = vector.shape_cast %get3A_242 : vector<1x160x128xf32> to vector<160x128xf32>
    %jit3A_244 = arith.constant 0.000000e+00 : f32
    %broadcast_in_dim3A_245 = vector.broadcast %jit3A_244 : f32 to vector<160x128xf32>
    %select_n3A_246 = arith.select %and3A_238, %get3A_243, %broadcast_in_dim3A_245 : vector<160x128xi1>, vector<160x128xf32>
    %add3A_247 = arith.addf %add3A_218, %select_n3A_246 : vector<160x128xf32>
    %get3A_248 = arith.constant 8 : index
    %get3A_249 = arith.constant 0 : index
    %get3A_250 = arith.constant 0 : index
    %get3A_251 = vector.load %arg1[%get3A_248, %get3A_249, %get3A_250] : memref<32x160x128xf32, #tpu.memory_space<vmem>>, vector<1x160x128xf32>
    %get3A_252 = vector.shape_cast %get3A_251 : vector<1x160x128xf32> to vector<160x128xf32>
    %jit3A_253 = arith.constant 0.000000e+00 : f32
    %broadcast_in_dim3A_254 = vector.broadcast %jit3A_253 : f32 to vector<160x128xf32>
    %select_n3A_255 = arith.select %and3A_238, %get3A_252, %broadcast_in_dim3A_254 : vector<160x128xi1>, vector<160x128xf32>
    %add3A_256 = arith.addf %add3A_227, %select_n3A_255 : vector<160x128xf32>
    %get3A_257 = arith.constant 9 : index
    %get3A_258 = arith.constant 0 : index
    %get3A_259 = memref.load %arg2[%get3A_257, %get3A_258] : memref<32x16xi32, #tpu.memory_space<smem>>
    %ge3A_260 = vector.broadcast %get3A_259 : i32 to vector<160x128xi32>
    %ge3A_261 = arith.cmpi sge, %iota3A, %ge3A_260 : vector<160x128xi32>
    %get3A_262 = arith.constant 9 : index
    %get3A_263 = arith.constant 1 : index
    %get3A_264 = memref.load %arg2[%get3A_262, %get3A_263] : memref<32x16xi32, #tpu.memory_space<smem>>
    %le3A_265 = vector.broadcast %get3A_264 : i32 to vector<160x128xi32>
    %le3A_266 = arith.cmpi sle, %iota3A, %le3A_265 : vector<160x128xi32>
    %and3A_267 = arith.andi %ge3A_261, %le3A_266 : vector<160x128xi1>
    %get3A_268 = arith.constant 9 : index
    %get3A_269 = arith.constant 0 : index
    %get3A_270 = arith.constant 0 : index
    %get3A_271 = vector.load %arg0[%get3A_268, %get3A_269, %get3A_270] : memref<32x160x128xf32, #tpu.memory_space<vmem>>, vector<1x160x128xf32>
    %get3A_272 = vector.shape_cast %get3A_271 : vector<1x160x128xf32> to vector<160x128xf32>
    %jit3A_273 = arith.constant 0.000000e+00 : f32
    %broadcast_in_dim3A_274 = vector.broadcast %jit3A_273 : f32 to vector<160x128xf32>
    %select_n3A_275 = arith.select %and3A_267, %get3A_272, %broadcast_in_dim3A_274 : vector<160x128xi1>, vector<160x128xf32>
    %add3A_276 = arith.addf %add3A_247, %select_n3A_275 : vector<160x128xf32>
    %get3A_277 = arith.constant 9 : index
    %get3A_278 = arith.constant 0 : index
    %get3A_279 = arith.constant 0 : index
    %get3A_280 = vector.load %arg1[%get3A_277, %get3A_278, %get3A_279] : memref<32x160x128xf32, #tpu.memory_space<vmem>>, vector<1x160x128xf32>
    %get3A_281 = vector.shape_cast %get3A_280 : vector<1x160x128xf32> to vector<160x128xf32>
    %jit3A_282 = arith.constant 0.000000e+00 : f32
    %broadcast_in_dim3A_283 = vector.broadcast %jit3A_282 : f32 to vector<160x128xf32>
    %select_n3A_284 = arith.select %and3A_267, %get3A_281, %broadcast_in_dim3A_283 : vector<160x128xi1>, vector<160x128xf32>
    %add3A_285 = arith.addf %add3A_256, %select_n3A_284 : vector<160x128xf32>
    %get3A_286 = arith.constant 10 : index
    %get3A_287 = arith.constant 0 : index
    %get3A_288 = memref.load %arg2[%get3A_286, %get3A_287] : memref<32x16xi32, #tpu.memory_space<smem>>
    %ge3A_289 = vector.broadcast %get3A_288 : i32 to vector<160x128xi32>
    %ge3A_290 = arith.cmpi sge, %iota3A, %ge3A_289 : vector<160x128xi32>
    %get3A_291 = arith.constant 10 : index
    %get3A_292 = arith.constant 1 : index
    %get3A_293 = memref.load %arg2[%get3A_291, %get3A_292] : memref<32x16xi32, #tpu.memory_space<smem>>
    %le3A_294 = vector.broadcast %get3A_293 : i32 to vector<160x128xi32>
    %le3A_295 = arith.cmpi sle, %iota3A, %le3A_294 : vector<160x128xi32>
    %and3A_296 = arith.andi %ge3A_290, %le3A_295 : vector<160x128xi1>
    %get3A_297 = arith.constant 10 : index
    %get3A_298 = arith.constant 0 : index
    %get3A_299 = arith.constant 0 : index
    %get3A_300 = vector.load %arg0[%get3A_297, %get3A_298, %get3A_299] : memref<32x160x128xf32, #tpu.memory_space<vmem>>, vector<1x160x128xf32>
    %get3A_301 = vector.shape_cast %get3A_300 : vector<1x160x128xf32> to vector<160x128xf32>
    %jit3A_302 = arith.constant 0.000000e+00 : f32
    %broadcast_in_dim3A_303 = vector.broadcast %jit3A_302 : f32 to vector<160x128xf32>
    %select_n3A_304 = arith.select %and3A_296, %get3A_301, %broadcast_in_dim3A_303 : vector<160x128xi1>, vector<160x128xf32>
    %add3A_305 = arith.addf %add3A_276, %select_n3A_304 : vector<160x128xf32>
    %get3A_306 = arith.constant 10 : index
    %get3A_307 = arith.constant 0 : index
    %get3A_308 = arith.constant 0 : index
    %get3A_309 = vector.load %arg1[%get3A_306, %get3A_307, %get3A_308] : memref<32x160x128xf32, #tpu.memory_space<vmem>>, vector<1x160x128xf32>
    %get3A_310 = vector.shape_cast %get3A_309 : vector<1x160x128xf32> to vector<160x128xf32>
    %jit3A_311 = arith.constant 0.000000e+00 : f32
    %broadcast_in_dim3A_312 = vector.broadcast %jit3A_311 : f32 to vector<160x128xf32>
    %select_n3A_313 = arith.select %and3A_296, %get3A_310, %broadcast_in_dim3A_312 : vector<160x128xi1>, vector<160x128xf32>
    %add3A_314 = arith.addf %add3A_285, %select_n3A_313 : vector<160x128xf32>
    %get3A_315 = arith.constant 11 : index
    %get3A_316 = arith.constant 0 : index
    %get3A_317 = memref.load %arg2[%get3A_315, %get3A_316] : memref<32x16xi32, #tpu.memory_space<smem>>
    %ge3A_318 = vector.broadcast %get3A_317 : i32 to vector<160x128xi32>
    %ge3A_319 = arith.cmpi sge, %iota3A, %ge3A_318 : vector<160x128xi32>
    %get3A_320 = arith.constant 11 : index
    %get3A_321 = arith.constant 1 : index
    %get3A_322 = memref.load %arg2[%get3A_320, %get3A_321] : memref<32x16xi32, #tpu.memory_space<smem>>
    %le3A_323 = vector.broadcast %get3A_322 : i32 to vector<160x128xi32>
    %le3A_324 = arith.cmpi sle, %iota3A, %le3A_323 : vector<160x128xi32>
    %and3A_325 = arith.andi %ge3A_319, %le3A_324 : vector<160x128xi1>
    %get3A_326 = arith.constant 11 : index
    %get3A_327 = arith.constant 0 : index
    %get3A_328 = arith.constant 0 : index
    %get3A_329 = vector.load %arg0[%get3A_326, %get3A_327, %get3A_328] : memref<32x160x128xf32, #tpu.memory_space<vmem>>, vector<1x160x128xf32>
    %get3A_330 = vector.shape_cast %get3A_329 : vector<1x160x128xf32> to vector<160x128xf32>
    %jit3A_331 = arith.constant 0.000000e+00 : f32
    %broadcast_in_dim3A_332 = vector.broadcast %jit3A_331 : f32 to vector<160x128xf32>
    %select_n3A_333 = arith.select %and3A_325, %get3A_330, %broadcast_in_dim3A_332 : vector<160x128xi1>, vector<160x128xf32>
    %add3A_334 = arith.addf %add3A_305, %select_n3A_333 : vector<160x128xf32>
    %get3A_335 = arith.constant 11 : index
    %get3A_336 = arith.constant 0 : index
    %get3A_337 = arith.constant 0 : index
    %get3A_338 = vector.load %arg1[%get3A_335, %get3A_336, %get3A_337] : memref<32x160x128xf32, #tpu.memory_space<vmem>>, vector<1x160x128xf32>
    %get3A_339 = vector.shape_cast %get3A_338 : vector<1x160x128xf32> to vector<160x128xf32>
    %jit3A_340 = arith.constant 0.000000e+00 : f32
    %broadcast_in_dim3A_341 = vector.broadcast %jit3A_340 : f32 to vector<160x128xf32>
    %select_n3A_342 = arith.select %and3A_325, %get3A_339, %broadcast_in_dim3A_341 : vector<160x128xi1>, vector<160x128xf32>
    %add3A_343 = arith.addf %add3A_314, %select_n3A_342 : vector<160x128xf32>
    %get3A_344 = arith.constant 12 : index
    %get3A_345 = arith.constant 0 : index
    %get3A_346 = memref.load %arg2[%get3A_344, %get3A_345] : memref<32x16xi32, #tpu.memory_space<smem>>
    %ge3A_347 = vector.broadcast %get3A_346 : i32 to vector<160x128xi32>
    %ge3A_348 = arith.cmpi sge, %iota3A, %ge3A_347 : vector<160x128xi32>
    %get3A_349 = arith.constant 12 : index
    %get3A_350 = arith.constant 1 : index
    %get3A_351 = memref.load %arg2[%get3A_349, %get3A_350] : memref<32x16xi32, #tpu.memory_space<smem>>
    %le3A_352 = vector.broadcast %get3A_351 : i32 to vector<160x128xi32>
    %le3A_353 = arith.cmpi sle, %iota3A, %le3A_352 : vector<160x128xi32>
    %and3A_354 = arith.andi %ge3A_348, %le3A_353 : vector<160x128xi1>
    %get3A_355 = arith.constant 12 : index
    %get3A_356 = arith.constant 0 : index
    %get3A_357 = arith.constant 0 : index
    %get3A_358 = vector.load %arg0[%get3A_355, %get3A_356, %get3A_357] : memref<32x160x128xf32, #tpu.memory_space<vmem>>, vector<1x160x128xf32>
    %get3A_359 = vector.shape_cast %get3A_358 : vector<1x160x128xf32> to vector<160x128xf32>
    %jit3A_360 = arith.constant 0.000000e+00 : f32
    %broadcast_in_dim3A_361 = vector.broadcast %jit3A_360 : f32 to vector<160x128xf32>
    %select_n3A_362 = arith.select %and3A_354, %get3A_359, %broadcast_in_dim3A_361 : vector<160x128xi1>, vector<160x128xf32>
    %add3A_363 = arith.addf %add3A_334, %select_n3A_362 : vector<160x128xf32>
    %get3A_364 = arith.constant 12 : index
    %get3A_365 = arith.constant 0 : index
    %get3A_366 = arith.constant 0 : index
    %get3A_367 = vector.load %arg1[%get3A_364, %get3A_365, %get3A_366] : memref<32x160x128xf32, #tpu.memory_space<vmem>>, vector<1x160x128xf32>
    %get3A_368 = vector.shape_cast %get3A_367 : vector<1x160x128xf32> to vector<160x128xf32>
    %jit3A_369 = arith.constant 0.000000e+00 : f32
    %broadcast_in_dim3A_370 = vector.broadcast %jit3A_369 : f32 to vector<160x128xf32>
    %select_n3A_371 = arith.select %and3A_354, %get3A_368, %broadcast_in_dim3A_370 : vector<160x128xi1>, vector<160x128xf32>
    %add3A_372 = arith.addf %add3A_343, %select_n3A_371 : vector<160x128xf32>
    %get3A_373 = arith.constant 13 : index
    %get3A_374 = arith.constant 0 : index
    %get3A_375 = memref.load %arg2[%get3A_373, %get3A_374] : memref<32x16xi32, #tpu.memory_space<smem>>
    %ge3A_376 = vector.broadcast %get3A_375 : i32 to vector<160x128xi32>
    %ge3A_377 = arith.cmpi sge, %iota3A, %ge3A_376 : vector<160x128xi32>
    %get3A_378 = arith.constant 13 : index
    %get3A_379 = arith.constant 1 : index
    %get3A_380 = memref.load %arg2[%get3A_378, %get3A_379] : memref<32x16xi32, #tpu.memory_space<smem>>
    %le3A_381 = vector.broadcast %get3A_380 : i32 to vector<160x128xi32>
    %le3A_382 = arith.cmpi sle, %iota3A, %le3A_381 : vector<160x128xi32>
    %and3A_383 = arith.andi %ge3A_377, %le3A_382 : vector<160x128xi1>
    %get3A_384 = arith.constant 13 : index
    %get3A_385 = arith.constant 0 : index
    %get3A_386 = arith.constant 0 : index
    %get3A_387 = vector.load %arg0[%get3A_384, %get3A_385, %get3A_386] : memref<32x160x128xf32, #tpu.memory_space<vmem>>, vector<1x160x128xf32>
    %get3A_388 = vector.shape_cast %get3A_387 : vector<1x160x128xf32> to vector<160x128xf32>
    %jit3A_389 = arith.constant 0.000000e+00 : f32
    %broadcast_in_dim3A_390 = vector.broadcast %jit3A_389 : f32 to vector<160x128xf32>
    %select_n3A_391 = arith.select %and3A_383, %get3A_388, %broadcast_in_dim3A_390 : vector<160x128xi1>, vector<160x128xf32>
    %add3A_392 = arith.addf %add3A_363, %select_n3A_391 : vector<160x128xf32>
    %get3A_393 = arith.constant 13 : index
    %get3A_394 = arith.constant 0 : index
    %get3A_395 = arith.constant 0 : index
    %get3A_396 = vector.load %arg1[%get3A_393, %get3A_394, %get3A_395] : memref<32x160x128xf32, #tpu.memory_space<vmem>>, vector<1x160x128xf32>
    %get3A_397 = vector.shape_cast %get3A_396 : vector<1x160x128xf32> to vector<160x128xf32>
    %jit3A_398 = arith.constant 0.000000e+00 : f32
    %broadcast_in_dim3A_399 = vector.broadcast %jit3A_398 : f32 to vector<160x128xf32>
    %select_n3A_400 = arith.select %and3A_383, %get3A_397, %broadcast_in_dim3A_399 : vector<160x128xi1>, vector<160x128xf32>
    %add3A_401 = arith.addf %add3A_372, %select_n3A_400 : vector<160x128xf32>
    %get3A_402 = arith.constant 14 : index
    %get3A_403 = arith.constant 0 : index
    %get3A_404 = memref.load %arg2[%get3A_402, %get3A_403] : memref<32x16xi32, #tpu.memory_space<smem>>
    %ge3A_405 = vector.broadcast %get3A_404 : i32 to vector<160x128xi32>
    %ge3A_406 = arith.cmpi sge, %iota3A, %ge3A_405 : vector<160x128xi32>
    %get3A_407 = arith.constant 14 : index
    %get3A_408 = arith.constant 1 : index
    %get3A_409 = memref.load %arg2[%get3A_407, %get3A_408] : memref<32x16xi32, #tpu.memory_space<smem>>
    %le3A_410 = vector.broadcast %get3A_409 : i32 to vector<160x128xi32>
    %le3A_411 = arith.cmpi sle, %iota3A, %le3A_410 : vector<160x128xi32>
    %and3A_412 = arith.andi %ge3A_406, %le3A_411 : vector<160x128xi1>
    %get3A_413 = arith.constant 14 : index
    %get3A_414 = arith.constant 0 : index
    %get3A_415 = arith.constant 0 : index
    %get3A_416 = vector.load %arg0[%get3A_413, %get3A_414, %get3A_415] : memref<32x160x128xf32, #tpu.memory_space<vmem>>, vector<1x160x128xf32>
    %get3A_417 = vector.shape_cast %get3A_416 : vector<1x160x128xf32> to vector<160x128xf32>
    %jit3A_418 = arith.constant 0.000000e+00 : f32
    %broadcast_in_dim3A_419 = vector.broadcast %jit3A_418 : f32 to vector<160x128xf32>
    %select_n3A_420 = arith.select %and3A_412, %get3A_417, %broadcast_in_dim3A_419 : vector<160x128xi1>, vector<160x128xf32>
    %add3A_421 = arith.addf %add3A_392, %select_n3A_420 : vector<160x128xf32>
    %get3A_422 = arith.constant 14 : index
    %get3A_423 = arith.constant 0 : index
    %get3A_424 = arith.constant 0 : index
    %get3A_425 = vector.load %arg1[%get3A_422, %get3A_423, %get3A_424] : memref<32x160x128xf32, #tpu.memory_space<vmem>>, vector<1x160x128xf32>
    %get3A_426 = vector.shape_cast %get3A_425 : vector<1x160x128xf32> to vector<160x128xf32>
    %jit3A_427 = arith.constant 0.000000e+00 : f32
    %broadcast_in_dim3A_428 = vector.broadcast %jit3A_427 : f32 to vector<160x128xf32>
    %select_n3A_429 = arith.select %and3A_412, %get3A_426, %broadcast_in_dim3A_428 : vector<160x128xi1>, vector<160x128xf32>
    %add3A_430 = arith.addf %add3A_401, %select_n3A_429 : vector<160x128xf32>
    %get3A_431 = arith.constant 15 : index
    %get3A_432 = arith.constant 0 : index
    %get3A_433 = memref.load %arg2[%get3A_431, %get3A_432] : memref<32x16xi32, #tpu.memory_space<smem>>
    %ge3A_434 = vector.broadcast %get3A_433 : i32 to vector<160x128xi32>
    %ge3A_435 = arith.cmpi sge, %iota3A, %ge3A_434 : vector<160x128xi32>
    %get3A_436 = arith.constant 15 : index
    %get3A_437 = arith.constant 1 : index
    %get3A_438 = memref.load %arg2[%get3A_436, %get3A_437] : memref<32x16xi32, #tpu.memory_space<smem>>
    %le3A_439 = vector.broadcast %get3A_438 : i32 to vector<160x128xi32>
    %le3A_440 = arith.cmpi sle, %iota3A, %le3A_439 : vector<160x128xi32>
    %and3A_441 = arith.andi %ge3A_435, %le3A_440 : vector<160x128xi1>
    %get3A_442 = arith.constant 15 : index
    %get3A_443 = arith.constant 0 : index
    %get3A_444 = arith.constant 0 : index
    %get3A_445 = vector.load %arg0[%get3A_442, %get3A_443, %get3A_444] : memref<32x160x128xf32, #tpu.memory_space<vmem>>, vector<1x160x128xf32>
    %get3A_446 = vector.shape_cast %get3A_445 : vector<1x160x128xf32> to vector<160x128xf32>
    %jit3A_447 = arith.constant 0.000000e+00 : f32
    %broadcast_in_dim3A_448 = vector.broadcast %jit3A_447 : f32 to vector<160x128xf32>
    %select_n3A_449 = arith.select %and3A_441, %get3A_446, %broadcast_in_dim3A_448 : vector<160x128xi1>, vector<160x128xf32>
    %add3A_450 = arith.addf %add3A_421, %select_n3A_449 : vector<160x128xf32>
    %get3A_451 = arith.constant 15 : index
    %get3A_452 = arith.constant 0 : index
    %get3A_453 = arith.constant 0 : index
    %get3A_454 = vector.load %arg1[%get3A_451, %get3A_452, %get3A_453] : memref<32x160x128xf32, #tpu.memory_space<vmem>>, vector<1x160x128xf32>
    %get3A_455 = vector.shape_cast %get3A_454 : vector<1x160x128xf32> to vector<160x128xf32>
    %jit3A_456 = arith.constant 0.000000e+00 : f32
    %broadcast_in_dim3A_457 = vector.broadcast %jit3A_456 : f32 to vector<160x128xf32>
    %select_n3A_458 = arith.select %and3A_441, %get3A_455, %broadcast_in_dim3A_457 : vector<160x128xi1>, vector<160x128xf32>
    %add3A_459 = arith.addf %add3A_430, %select_n3A_458 : vector<160x128xf32>
    %get3A_460 = arith.constant 16 : index
    %get3A_461 = arith.constant 0 : index
    %get3A_462 = memref.load %arg2[%get3A_460, %get3A_461] : memref<32x16xi32, #tpu.memory_space<smem>>
    %ge3A_463 = vector.broadcast %get3A_462 : i32 to vector<160x128xi32>
    %ge3A_464 = arith.cmpi sge, %iota3A, %ge3A_463 : vector<160x128xi32>
    %get3A_465 = arith.constant 16 : index
    %get3A_466 = arith.constant 1 : index
    %get3A_467 = memref.load %arg2[%get3A_465, %get3A_466] : memref<32x16xi32, #tpu.memory_space<smem>>
    %le3A_468 = vector.broadcast %get3A_467 : i32 to vector<160x128xi32>
    %le3A_469 = arith.cmpi sle, %iota3A, %le3A_468 : vector<160x128xi32>
    %and3A_470 = arith.andi %ge3A_464, %le3A_469 : vector<160x128xi1>
    %get3A_471 = arith.constant 16 : index
    %get3A_472 = arith.constant 0 : index
    %get3A_473 = arith.constant 0 : index
    %get3A_474 = vector.load %arg0[%get3A_471, %get3A_472, %get3A_473] : memref<32x160x128xf32, #tpu.memory_space<vmem>>, vector<1x160x128xf32>
    %get3A_475 = vector.shape_cast %get3A_474 : vector<1x160x128xf32> to vector<160x128xf32>
    %jit3A_476 = arith.constant 0.000000e+00 : f32
    %broadcast_in_dim3A_477 = vector.broadcast %jit3A_476 : f32 to vector<160x128xf32>
    %select_n3A_478 = arith.select %and3A_470, %get3A_475, %broadcast_in_dim3A_477 : vector<160x128xi1>, vector<160x128xf32>
    %add3A_479 = arith.addf %add3A_450, %select_n3A_478 : vector<160x128xf32>
    %get3A_480 = arith.constant 16 : index
    %get3A_481 = arith.constant 0 : index
    %get3A_482 = arith.constant 0 : index
    %get3A_483 = vector.load %arg1[%get3A_480, %get3A_481, %get3A_482] : memref<32x160x128xf32, #tpu.memory_space<vmem>>, vector<1x160x128xf32>
    %get3A_484 = vector.shape_cast %get3A_483 : vector<1x160x128xf32> to vector<160x128xf32>
    %jit3A_485 = arith.constant 0.000000e+00 : f32
    %broadcast_in_dim3A_486 = vector.broadcast %jit3A_485 : f32 to vector<160x128xf32>
    %select_n3A_487 = arith.select %and3A_470, %get3A_484, %broadcast_in_dim3A_486 : vector<160x128xi1>, vector<160x128xf32>
    %add3A_488 = arith.addf %add3A_459, %select_n3A_487 : vector<160x128xf32>
    %get3A_489 = arith.constant 17 : index
    %get3A_490 = arith.constant 0 : index
    %get3A_491 = memref.load %arg2[%get3A_489, %get3A_490] : memref<32x16xi32, #tpu.memory_space<smem>>
    %ge3A_492 = vector.broadcast %get3A_491 : i32 to vector<160x128xi32>
    %ge3A_493 = arith.cmpi sge, %iota3A, %ge3A_492 : vector<160x128xi32>
    %get3A_494 = arith.constant 17 : index
    %get3A_495 = arith.constant 1 : index
    %get3A_496 = memref.load %arg2[%get3A_494, %get3A_495] : memref<32x16xi32, #tpu.memory_space<smem>>
    %le3A_497 = vector.broadcast %get3A_496 : i32 to vector<160x128xi32>
    %le3A_498 = arith.cmpi sle, %iota3A, %le3A_497 : vector<160x128xi32>
    %and3A_499 = arith.andi %ge3A_493, %le3A_498 : vector<160x128xi1>
    %get3A_500 = arith.constant 17 : index
    %get3A_501 = arith.constant 0 : index
    %get3A_502 = arith.constant 0 : index
    %get3A_503 = vector.load %arg0[%get3A_500, %get3A_501, %get3A_502] : memref<32x160x128xf32, #tpu.memory_space<vmem>>, vector<1x160x128xf32>
    %get3A_504 = vector.shape_cast %get3A_503 : vector<1x160x128xf32> to vector<160x128xf32>
    %jit3A_505 = arith.constant 0.000000e+00 : f32
    %broadcast_in_dim3A_506 = vector.broadcast %jit3A_505 : f32 to vector<160x128xf32>
    %select_n3A_507 = arith.select %and3A_499, %get3A_504, %broadcast_in_dim3A_506 : vector<160x128xi1>, vector<160x128xf32>
    %add3A_508 = arith.addf %add3A_479, %select_n3A_507 : vector<160x128xf32>
    %get3A_509 = arith.constant 17 : index
    %get3A_510 = arith.constant 0 : index
    %get3A_511 = arith.constant 0 : index
    %get3A_512 = vector.load %arg1[%get3A_509, %get3A_510, %get3A_511] : memref<32x160x128xf32, #tpu.memory_space<vmem>>, vector<1x160x128xf32>
    %get3A_513 = vector.shape_cast %get3A_512 : vector<1x160x128xf32> to vector<160x128xf32>
    %jit3A_514 = arith.constant 0.000000e+00 : f32
    %broadcast_in_dim3A_515 = vector.broadcast %jit3A_514 : f32 to vector<160x128xf32>
    %select_n3A_516 = arith.select %and3A_499, %get3A_513, %broadcast_in_dim3A_515 : vector<160x128xi1>, vector<160x128xf32>
    %add3A_517 = arith.addf %add3A_488, %select_n3A_516 : vector<160x128xf32>
    %get3A_518 = arith.constant 18 : index
    %get3A_519 = arith.constant 0 : index
    %get3A_520 = memref.load %arg2[%get3A_518, %get3A_519] : memref<32x16xi32, #tpu.memory_space<smem>>
    %ge3A_521 = vector.broadcast %get3A_520 : i32 to vector<160x128xi32>
    %ge3A_522 = arith.cmpi sge, %iota3A, %ge3A_521 : vector<160x128xi32>
    %get3A_523 = arith.constant 18 : index
    %get3A_524 = arith.constant 1 : index
    %get3A_525 = memref.load %arg2[%get3A_523, %get3A_524] : memref<32x16xi32, #tpu.memory_space<smem>>
    %le3A_526 = vector.broadcast %get3A_525 : i32 to vector<160x128xi32>
    %le3A_527 = arith.cmpi sle, %iota3A, %le3A_526 : vector<160x128xi32>
    %and3A_528 = arith.andi %ge3A_522, %le3A_527 : vector<160x128xi1>
    %get3A_529 = arith.constant 18 : index
    %get3A_530 = arith.constant 0 : index
    %get3A_531 = arith.constant 0 : index
    %get3A_532 = vector.load %arg0[%get3A_529, %get3A_530, %get3A_531] : memref<32x160x128xf32, #tpu.memory_space<vmem>>, vector<1x160x128xf32>
    %get3A_533 = vector.shape_cast %get3A_532 : vector<1x160x128xf32> to vector<160x128xf32>
    %jit3A_534 = arith.constant 0.000000e+00 : f32
    %broadcast_in_dim3A_535 = vector.broadcast %jit3A_534 : f32 to vector<160x128xf32>
    %select_n3A_536 = arith.select %and3A_528, %get3A_533, %broadcast_in_dim3A_535 : vector<160x128xi1>, vector<160x128xf32>
    %add3A_537 = arith.addf %add3A_508, %select_n3A_536 : vector<160x128xf32>
    %get3A_538 = arith.constant 18 : index
    %get3A_539 = arith.constant 0 : index
    %get3A_540 = arith.constant 0 : index
    %get3A_541 = vector.load %arg1[%get3A_538, %get3A_539, %get3A_540] : memref<32x160x128xf32, #tpu.memory_space<vmem>>, vector<1x160x128xf32>
    %get3A_542 = vector.shape_cast %get3A_541 : vector<1x160x128xf32> to vector<160x128xf32>
    %jit3A_543 = arith.constant 0.000000e+00 : f32
    %broadcast_in_dim3A_544 = vector.broadcast %jit3A_543 : f32 to vector<160x128xf32>
    %select_n3A_545 = arith.select %and3A_528, %get3A_542, %broadcast_in_dim3A_544 : vector<160x128xi1>, vector<160x128xf32>
    %add3A_546 = arith.addf %add3A_517, %select_n3A_545 : vector<160x128xf32>
    %get3A_547 = arith.constant 19 : index
    %get3A_548 = arith.constant 0 : index
    %get3A_549 = memref.load %arg2[%get3A_547, %get3A_548] : memref<32x16xi32, #tpu.memory_space<smem>>
    %ge3A_550 = vector.broadcast %get3A_549 : i32 to vector<160x128xi32>
    %ge3A_551 = arith.cmpi sge, %iota3A, %ge3A_550 : vector<160x128xi32>
    %get3A_552 = arith.constant 19 : index
    %get3A_553 = arith.constant 1 : index
    %get3A_554 = memref.load %arg2[%get3A_552, %get3A_553] : memref<32x16xi32, #tpu.memory_space<smem>>
    %le3A_555 = vector.broadcast %get3A_554 : i32 to vector<160x128xi32>
    %le3A_556 = arith.cmpi sle, %iota3A, %le3A_555 : vector<160x128xi32>
    %and3A_557 = arith.andi %ge3A_551, %le3A_556 : vector<160x128xi1>
    %get3A_558 = arith.constant 19 : index
    %get3A_559 = arith.constant 0 : index
    %get3A_560 = arith.constant 0 : index
    %get3A_561 = vector.load %arg0[%get3A_558, %get3A_559, %get3A_560] : memref<32x160x128xf32, #tpu.memory_space<vmem>>, vector<1x160x128xf32>
    %get3A_562 = vector.shape_cast %get3A_561 : vector<1x160x128xf32> to vector<160x128xf32>
    %jit3A_563 = arith.constant 0.000000e+00 : f32
    %broadcast_in_dim3A_564 = vector.broadcast %jit3A_563 : f32 to vector<160x128xf32>
    %select_n3A_565 = arith.select %and3A_557, %get3A_562, %broadcast_in_dim3A_564 : vector<160x128xi1>, vector<160x128xf32>
    %add3A_566 = arith.addf %add3A_537, %select_n3A_565 : vector<160x128xf32>
    %get3A_567 = arith.constant 19 : index
    %get3A_568 = arith.constant 0 : index
    %get3A_569 = arith.constant 0 : index
    %get3A_570 = vector.load %arg1[%get3A_567, %get3A_568, %get3A_569] : memref<32x160x128xf32, #tpu.memory_space<vmem>>, vector<1x160x128xf32>
    %get3A_571 = vector.shape_cast %get3A_570 : vector<1x160x128xf32> to vector<160x128xf32>
    %jit3A_572 = arith.constant 0.000000e+00 : f32
    %broadcast_in_dim3A_573 = vector.broadcast %jit3A_572 : f32 to vector<160x128xf32>
    %select_n3A_574 = arith.select %and3A_557, %get3A_571, %broadcast_in_dim3A_573 : vector<160x128xi1>, vector<160x128xf32>
    %add3A_575 = arith.addf %add3A_546, %select_n3A_574 : vector<160x128xf32>
    %get3A_576 = arith.constant 20 : index
    %get3A_577 = arith.constant 0 : index
    %get3A_578 = memref.load %arg2[%get3A_576, %get3A_577] : memref<32x16xi32, #tpu.memory_space<smem>>
    %ge3A_579 = vector.broadcast %get3A_578 : i32 to vector<160x128xi32>
    %ge3A_580 = arith.cmpi sge, %iota3A, %ge3A_579 : vector<160x128xi32>
    %get3A_581 = arith.constant 20 : index
    %get3A_582 = arith.constant 1 : index
    %get3A_583 = memref.load %arg2[%get3A_581, %get3A_582] : memref<32x16xi32, #tpu.memory_space<smem>>
    %le3A_584 = vector.broadcast %get3A_583 : i32 to vector<160x128xi32>
    %le3A_585 = arith.cmpi sle, %iota3A, %le3A_584 : vector<160x128xi32>
    %and3A_586 = arith.andi %ge3A_580, %le3A_585 : vector<160x128xi1>
    %get3A_587 = arith.constant 20 : index
    %get3A_588 = arith.constant 0 : index
    %get3A_589 = arith.constant 0 : index
    %get3A_590 = vector.load %arg0[%get3A_587, %get3A_588, %get3A_589] : memref<32x160x128xf32, #tpu.memory_space<vmem>>, vector<1x160x128xf32>
    %get3A_591 = vector.shape_cast %get3A_590 : vector<1x160x128xf32> to vector<160x128xf32>
    %jit3A_592 = arith.constant 0.000000e+00 : f32
    %broadcast_in_dim3A_593 = vector.broadcast %jit3A_592 : f32 to vector<160x128xf32>
    %select_n3A_594 = arith.select %and3A_586, %get3A_591, %broadcast_in_dim3A_593 : vector<160x128xi1>, vector<160x128xf32>
    %add3A_595 = arith.addf %add3A_566, %select_n3A_594 : vector<160x128xf32>
    %get3A_596 = arith.constant 20 : index
    %get3A_597 = arith.constant 0 : index
    %get3A_598 = arith.constant 0 : index
    %get3A_599 = vector.load %arg1[%get3A_596, %get3A_597, %get3A_598] : memref<32x160x128xf32, #tpu.memory_space<vmem>>, vector<1x160x128xf32>
    %get3A_600 = vector.shape_cast %get3A_599 : vector<1x160x128xf32> to vector<160x128xf32>
    %jit3A_601 = arith.constant 0.000000e+00 : f32
    %broadcast_in_dim3A_602 = vector.broadcast %jit3A_601 : f32 to vector<160x128xf32>
    %select_n3A_603 = arith.select %and3A_586, %get3A_600, %broadcast_in_dim3A_602 : vector<160x128xi1>, vector<160x128xf32>
    %add3A_604 = arith.addf %add3A_575, %select_n3A_603 : vector<160x128xf32>
    %get3A_605 = arith.constant 21 : index
    %get3A_606 = arith.constant 0 : index
    %get3A_607 = memref.load %arg2[%get3A_605, %get3A_606] : memref<32x16xi32, #tpu.memory_space<smem>>
    %ge3A_608 = vector.broadcast %get3A_607 : i32 to vector<160x128xi32>
    %ge3A_609 = arith.cmpi sge, %iota3A, %ge3A_608 : vector<160x128xi32>
    %get3A_610 = arith.constant 21 : index
    %get3A_611 = arith.constant 1 : index
    %get3A_612 = memref.load %arg2[%get3A_610, %get3A_611] : memref<32x16xi32, #tpu.memory_space<smem>>
    %le3A_613 = vector.broadcast %get3A_612 : i32 to vector<160x128xi32>
    %le3A_614 = arith.cmpi sle, %iota3A, %le3A_613 : vector<160x128xi32>
    %and3A_615 = arith.andi %ge3A_609, %le3A_614 : vector<160x128xi1>
    %get3A_616 = arith.constant 21 : index
    %get3A_617 = arith.constant 0 : index
    %get3A_618 = arith.constant 0 : index
    %get3A_619 = vector.load %arg0[%get3A_616, %get3A_617, %get3A_618] : memref<32x160x128xf32, #tpu.memory_space<vmem>>, vector<1x160x128xf32>
    %get3A_620 = vector.shape_cast %get3A_619 : vector<1x160x128xf32> to vector<160x128xf32>
    %jit3A_621 = arith.constant 0.000000e+00 : f32
    %broadcast_in_dim3A_622 = vector.broadcast %jit3A_621 : f32 to vector<160x128xf32>
    %select_n3A_623 = arith.select %and3A_615, %get3A_620, %broadcast_in_dim3A_622 : vector<160x128xi1>, vector<160x128xf32>
    %add3A_624 = arith.addf %add3A_595, %select_n3A_623 : vector<160x128xf32>
    %get3A_625 = arith.constant 21 : index
    %get3A_626 = arith.constant 0 : index
    %get3A_627 = arith.constant 0 : index
    %get3A_628 = vector.load %arg1[%get3A_625, %get3A_626, %get3A_627] : memref<32x160x128xf32, #tpu.memory_space<vmem>>, vector<1x160x128xf32>
    %get3A_629 = vector.shape_cast %get3A_628 : vector<1x160x128xf32> to vector<160x128xf32>
    %jit3A_630 = arith.constant 0.000000e+00 : f32
    %broadcast_in_dim3A_631 = vector.broadcast %jit3A_630 : f32 to vector<160x128xf32>
    %select_n3A_632 = arith.select %and3A_615, %get3A_629, %broadcast_in_dim3A_631 : vector<160x128xi1>, vector<160x128xf32>
    %add3A_633 = arith.addf %add3A_604, %select_n3A_632 : vector<160x128xf32>
    %get3A_634 = arith.constant 22 : index
    %get3A_635 = arith.constant 0 : index
    %get3A_636 = memref.load %arg2[%get3A_634, %get3A_635] : memref<32x16xi32, #tpu.memory_space<smem>>
    %ge3A_637 = vector.broadcast %get3A_636 : i32 to vector<160x128xi32>
    %ge3A_638 = arith.cmpi sge, %iota3A, %ge3A_637 : vector<160x128xi32>
    %get3A_639 = arith.constant 22 : index
    %get3A_640 = arith.constant 1 : index
    %get3A_641 = memref.load %arg2[%get3A_639, %get3A_640] : memref<32x16xi32, #tpu.memory_space<smem>>
    %le3A_642 = vector.broadcast %get3A_641 : i32 to vector<160x128xi32>
    %le3A_643 = arith.cmpi sle, %iota3A, %le3A_642 : vector<160x128xi32>
    %and3A_644 = arith.andi %ge3A_638, %le3A_643 : vector<160x128xi1>
    %get3A_645 = arith.constant 22 : index
    %get3A_646 = arith.constant 0 : index
    %get3A_647 = arith.constant 0 : index
    %get3A_648 = vector.load %arg0[%get3A_645, %get3A_646, %get3A_647] : memref<32x160x128xf32, #tpu.memory_space<vmem>>, vector<1x160x128xf32>
    %get3A_649 = vector.shape_cast %get3A_648 : vector<1x160x128xf32> to vector<160x128xf32>
    %jit3A_650 = arith.constant 0.000000e+00 : f32
    %broadcast_in_dim3A_651 = vector.broadcast %jit3A_650 : f32 to vector<160x128xf32>
    %select_n3A_652 = arith.select %and3A_644, %get3A_649, %broadcast_in_dim3A_651 : vector<160x128xi1>, vector<160x128xf32>
    %add3A_653 = arith.addf %add3A_624, %select_n3A_652 : vector<160x128xf32>
    %get3A_654 = arith.constant 22 : index
    %get3A_655 = arith.constant 0 : index
    %get3A_656 = arith.constant 0 : index
    %get3A_657 = vector.load %arg1[%get3A_654, %get3A_655, %get3A_656] : memref<32x160x128xf32, #tpu.memory_space<vmem>>, vector<1x160x128xf32>
    %get3A_658 = vector.shape_cast %get3A_657 : vector<1x160x128xf32> to vector<160x128xf32>
    %jit3A_659 = arith.constant 0.000000e+00 : f32
    %broadcast_in_dim3A_660 = vector.broadcast %jit3A_659 : f32 to vector<160x128xf32>
    %select_n3A_661 = arith.select %and3A_644, %get3A_658, %broadcast_in_dim3A_660 : vector<160x128xi1>, vector<160x128xf32>
    %add3A_662 = arith.addf %add3A_633, %select_n3A_661 : vector<160x128xf32>
    %get3A_663 = arith.constant 23 : index
    %get3A_664 = arith.constant 0 : index
    %get3A_665 = memref.load %arg2[%get3A_663, %get3A_664] : memref<32x16xi32, #tpu.memory_space<smem>>
    %ge3A_666 = vector.broadcast %get3A_665 : i32 to vector<160x128xi32>
    %ge3A_667 = arith.cmpi sge, %iota3A, %ge3A_666 : vector<160x128xi32>
    %get3A_668 = arith.constant 23 : index
    %get3A_669 = arith.constant 1 : index
    %get3A_670 = memref.load %arg2[%get3A_668, %get3A_669] : memref<32x16xi32, #tpu.memory_space<smem>>
    %le3A_671 = vector.broadcast %get3A_670 : i32 to vector<160x128xi32>
    %le3A_672 = arith.cmpi sle, %iota3A, %le3A_671 : vector<160x128xi32>
    %and3A_673 = arith.andi %ge3A_667, %le3A_672 : vector<160x128xi1>
    %get3A_674 = arith.constant 23 : index
    %get3A_675 = arith.constant 0 : index
    %get3A_676 = arith.constant 0 : index
    %get3A_677 = vector.load %arg0[%get3A_674, %get3A_675, %get3A_676] : memref<32x160x128xf32, #tpu.memory_space<vmem>>, vector<1x160x128xf32>
    %get3A_678 = vector.shape_cast %get3A_677 : vector<1x160x128xf32> to vector<160x128xf32>
    %jit3A_679 = arith.constant 0.000000e+00 : f32
    %broadcast_in_dim3A_680 = vector.broadcast %jit3A_679 : f32 to vector<160x128xf32>
    %select_n3A_681 = arith.select %and3A_673, %get3A_678, %broadcast_in_dim3A_680 : vector<160x128xi1>, vector<160x128xf32>
    %add3A_682 = arith.addf %add3A_653, %select_n3A_681 : vector<160x128xf32>
    %get3A_683 = arith.constant 23 : index
    %get3A_684 = arith.constant 0 : index
    %get3A_685 = arith.constant 0 : index
    %get3A_686 = vector.load %arg1[%get3A_683, %get3A_684, %get3A_685] : memref<32x160x128xf32, #tpu.memory_space<vmem>>, vector<1x160x128xf32>
    %get3A_687 = vector.shape_cast %get3A_686 : vector<1x160x128xf32> to vector<160x128xf32>
    %jit3A_688 = arith.constant 0.000000e+00 : f32
    %broadcast_in_dim3A_689 = vector.broadcast %jit3A_688 : f32 to vector<160x128xf32>
    %select_n3A_690 = arith.select %and3A_673, %get3A_687, %broadcast_in_dim3A_689 : vector<160x128xi1>, vector<160x128xf32>
    %add3A_691 = arith.addf %add3A_662, %select_n3A_690 : vector<160x128xf32>
    %get3A_692 = arith.constant 24 : index
    %get3A_693 = arith.constant 0 : index
    %get3A_694 = memref.load %arg2[%get3A_692, %get3A_693] : memref<32x16xi32, #tpu.memory_space<smem>>
    %ge3A_695 = vector.broadcast %get3A_694 : i32 to vector<160x128xi32>
    %ge3A_696 = arith.cmpi sge, %iota3A, %ge3A_695 : vector<160x128xi32>
    %get3A_697 = arith.constant 24 : index
    %get3A_698 = arith.constant 1 : index
    %get3A_699 = memref.load %arg2[%get3A_697, %get3A_698] : memref<32x16xi32, #tpu.memory_space<smem>>
    %le3A_700 = vector.broadcast %get3A_699 : i32 to vector<160x128xi32>
    %le3A_701 = arith.cmpi sle, %iota3A, %le3A_700 : vector<160x128xi32>
    %and3A_702 = arith.andi %ge3A_696, %le3A_701 : vector<160x128xi1>
    %get3A_703 = arith.constant 24 : index
    %get3A_704 = arith.constant 0 : index
    %get3A_705 = arith.constant 0 : index
    %get3A_706 = vector.load %arg0[%get3A_703, %get3A_704, %get3A_705] : memref<32x160x128xf32, #tpu.memory_space<vmem>>, vector<1x160x128xf32>
    %get3A_707 = vector.shape_cast %get3A_706 : vector<1x160x128xf32> to vector<160x128xf32>
    %jit3A_708 = arith.constant 0.000000e+00 : f32
    %broadcast_in_dim3A_709 = vector.broadcast %jit3A_708 : f32 to vector<160x128xf32>
    %select_n3A_710 = arith.select %and3A_702, %get3A_707, %broadcast_in_dim3A_709 : vector<160x128xi1>, vector<160x128xf32>
    %add3A_711 = arith.addf %add3A_682, %select_n3A_710 : vector<160x128xf32>
    %get3A_712 = arith.constant 24 : index
    %get3A_713 = arith.constant 0 : index
    %get3A_714 = arith.constant 0 : index
    %get3A_715 = vector.load %arg1[%get3A_712, %get3A_713, %get3A_714] : memref<32x160x128xf32, #tpu.memory_space<vmem>>, vector<1x160x128xf32>
    %get3A_716 = vector.shape_cast %get3A_715 : vector<1x160x128xf32> to vector<160x128xf32>
    %jit3A_717 = arith.constant 0.000000e+00 : f32
    %broadcast_in_dim3A_718 = vector.broadcast %jit3A_717 : f32 to vector<160x128xf32>
    %select_n3A_719 = arith.select %and3A_702, %get3A_716, %broadcast_in_dim3A_718 : vector<160x128xi1>, vector<160x128xf32>
    %add3A_720 = arith.addf %add3A_691, %select_n3A_719 : vector<160x128xf32>
    %get3A_721 = arith.constant 25 : index
    %get3A_722 = arith.constant 0 : index
    %get3A_723 = memref.load %arg2[%get3A_721, %get3A_722] : memref<32x16xi32, #tpu.memory_space<smem>>
    %ge3A_724 = vector.broadcast %get3A_723 : i32 to vector<160x128xi32>
    %ge3A_725 = arith.cmpi sge, %iota3A, %ge3A_724 : vector<160x128xi32>
    %get3A_726 = arith.constant 25 : index
    %get3A_727 = arith.constant 1 : index
    %get3A_728 = memref.load %arg2[%get3A_726, %get3A_727] : memref<32x16xi32, #tpu.memory_space<smem>>
    %le3A_729 = vector.broadcast %get3A_728 : i32 to vector<160x128xi32>
    %le3A_730 = arith.cmpi sle, %iota3A, %le3A_729 : vector<160x128xi32>
    %and3A_731 = arith.andi %ge3A_725, %le3A_730 : vector<160x128xi1>
    %get3A_732 = arith.constant 25 : index
    %get3A_733 = arith.constant 0 : index
    %get3A_734 = arith.constant 0 : index
    %get3A_735 = vector.load %arg0[%get3A_732, %get3A_733, %get3A_734] : memref<32x160x128xf32, #tpu.memory_space<vmem>>, vector<1x160x128xf32>
    %get3A_736 = vector.shape_cast %get3A_735 : vector<1x160x128xf32> to vector<160x128xf32>
    %jit3A_737 = arith.constant 0.000000e+00 : f32
    %broadcast_in_dim3A_738 = vector.broadcast %jit3A_737 : f32 to vector<160x128xf32>
    %select_n3A_739 = arith.select %and3A_731, %get3A_736, %broadcast_in_dim3A_738 : vector<160x128xi1>, vector<160x128xf32>
    %add3A_740 = arith.addf %add3A_711, %select_n3A_739 : vector<160x128xf32>
    %get3A_741 = arith.constant 25 : index
    %get3A_742 = arith.constant 0 : index
    %get3A_743 = arith.constant 0 : index
    %get3A_744 = vector.load %arg1[%get3A_741, %get3A_742, %get3A_743] : memref<32x160x128xf32, #tpu.memory_space<vmem>>, vector<1x160x128xf32>
    %get3A_745 = vector.shape_cast %get3A_744 : vector<1x160x128xf32> to vector<160x128xf32>
    %jit3A_746 = arith.constant 0.000000e+00 : f32
    %broadcast_in_dim3A_747 = vector.broadcast %jit3A_746 : f32 to vector<160x128xf32>
    %select_n3A_748 = arith.select %and3A_731, %get3A_745, %broadcast_in_dim3A_747 : vector<160x128xi1>, vector<160x128xf32>
    %add3A_749 = arith.addf %add3A_720, %select_n3A_748 : vector<160x128xf32>
    %get3A_750 = arith.constant 26 : index
    %get3A_751 = arith.constant 0 : index
    %get3A_752 = memref.load %arg2[%get3A_750, %get3A_751] : memref<32x16xi32, #tpu.memory_space<smem>>
    %ge3A_753 = vector.broadcast %get3A_752 : i32 to vector<160x128xi32>
    %ge3A_754 = arith.cmpi sge, %iota3A, %ge3A_753 : vector<160x128xi32>
    %get3A_755 = arith.constant 26 : index
    %get3A_756 = arith.constant 1 : index
    %get3A_757 = memref.load %arg2[%get3A_755, %get3A_756] : memref<32x16xi32, #tpu.memory_space<smem>>
    %le3A_758 = vector.broadcast %get3A_757 : i32 to vector<160x128xi32>
    %le3A_759 = arith.cmpi sle, %iota3A, %le3A_758 : vector<160x128xi32>
    %and3A_760 = arith.andi %ge3A_754, %le3A_759 : vector<160x128xi1>
    %get3A_761 = arith.constant 26 : index
    %get3A_762 = arith.constant 0 : index
    %get3A_763 = arith.constant 0 : index
    %get3A_764 = vector.load %arg0[%get3A_761, %get3A_762, %get3A_763] : memref<32x160x128xf32, #tpu.memory_space<vmem>>, vector<1x160x128xf32>
    %get3A_765 = vector.shape_cast %get3A_764 : vector<1x160x128xf32> to vector<160x128xf32>
    %jit3A_766 = arith.constant 0.000000e+00 : f32
    %broadcast_in_dim3A_767 = vector.broadcast %jit3A_766 : f32 to vector<160x128xf32>
    %select_n3A_768 = arith.select %and3A_760, %get3A_765, %broadcast_in_dim3A_767 : vector<160x128xi1>, vector<160x128xf32>
    %add3A_769 = arith.addf %add3A_740, %select_n3A_768 : vector<160x128xf32>
    %get3A_770 = arith.constant 26 : index
    %get3A_771 = arith.constant 0 : index
    %get3A_772 = arith.constant 0 : index
    %get3A_773 = vector.load %arg1[%get3A_770, %get3A_771, %get3A_772] : memref<32x160x128xf32, #tpu.memory_space<vmem>>, vector<1x160x128xf32>
    %get3A_774 = vector.shape_cast %get3A_773 : vector<1x160x128xf32> to vector<160x128xf32>
    %jit3A_775 = arith.constant 0.000000e+00 : f32
    %broadcast_in_dim3A_776 = vector.broadcast %jit3A_775 : f32 to vector<160x128xf32>
    %select_n3A_777 = arith.select %and3A_760, %get3A_774, %broadcast_in_dim3A_776 : vector<160x128xi1>, vector<160x128xf32>
    %add3A_778 = arith.addf %add3A_749, %select_n3A_777 : vector<160x128xf32>
    %get3A_779 = arith.constant 27 : index
    %get3A_780 = arith.constant 0 : index
    %get3A_781 = memref.load %arg2[%get3A_779, %get3A_780] : memref<32x16xi32, #tpu.memory_space<smem>>
    %ge3A_782 = vector.broadcast %get3A_781 : i32 to vector<160x128xi32>
    %ge3A_783 = arith.cmpi sge, %iota3A, %ge3A_782 : vector<160x128xi32>
    %get3A_784 = arith.constant 27 : index
    %get3A_785 = arith.constant 1 : index
    %get3A_786 = memref.load %arg2[%get3A_784, %get3A_785] : memref<32x16xi32, #tpu.memory_space<smem>>
    %le3A_787 = vector.broadcast %get3A_786 : i32 to vector<160x128xi32>
    %le3A_788 = arith.cmpi sle, %iota3A, %le3A_787 : vector<160x128xi32>
    %and3A_789 = arith.andi %ge3A_783, %le3A_788 : vector<160x128xi1>
    %get3A_790 = arith.constant 27 : index
    %get3A_791 = arith.constant 0 : index
    %get3A_792 = arith.constant 0 : index
    %get3A_793 = vector.load %arg0[%get3A_790, %get3A_791, %get3A_792] : memref<32x160x128xf32, #tpu.memory_space<vmem>>, vector<1x160x128xf32>
    %get3A_794 = vector.shape_cast %get3A_793 : vector<1x160x128xf32> to vector<160x128xf32>
    %jit3A_795 = arith.constant 0.000000e+00 : f32
    %broadcast_in_dim3A_796 = vector.broadcast %jit3A_795 : f32 to vector<160x128xf32>
    %select_n3A_797 = arith.select %and3A_789, %get3A_794, %broadcast_in_dim3A_796 : vector<160x128xi1>, vector<160x128xf32>
    %add3A_798 = arith.addf %add3A_769, %select_n3A_797 : vector<160x128xf32>
    %get3A_799 = arith.constant 27 : index
    %get3A_800 = arith.constant 0 : index
    %get3A_801 = arith.constant 0 : index
    %get3A_802 = vector.load %arg1[%get3A_799, %get3A_800, %get3A_801] : memref<32x160x128xf32, #tpu.memory_space<vmem>>, vector<1x160x128xf32>
    %get3A_803 = vector.shape_cast %get3A_802 : vector<1x160x128xf32> to vector<160x128xf32>
    %jit3A_804 = arith.constant 0.000000e+00 : f32
    %broadcast_in_dim3A_805 = vector.broadcast %jit3A_804 : f32 to vector<160x128xf32>
    %select_n3A_806 = arith.select %and3A_789, %get3A_803, %broadcast_in_dim3A_805 : vector<160x128xi1>, vector<160x128xf32>
    %add3A_807 = arith.addf %add3A_778, %select_n3A_806 : vector<160x128xf32>
    %get3A_808 = arith.constant 28 : index
    %get3A_809 = arith.constant 0 : index
    %get3A_810 = memref.load %arg2[%get3A_808, %get3A_809] : memref<32x16xi32, #tpu.memory_space<smem>>
    %ge3A_811 = vector.broadcast %get3A_810 : i32 to vector<160x128xi32>
    %ge3A_812 = arith.cmpi sge, %iota3A, %ge3A_811 : vector<160x128xi32>
    %get3A_813 = arith.constant 28 : index
    %get3A_814 = arith.constant 1 : index
    %get3A_815 = memref.load %arg2[%get3A_813, %get3A_814] : memref<32x16xi32, #tpu.memory_space<smem>>
    %le3A_816 = vector.broadcast %get3A_815 : i32 to vector<160x128xi32>
    %le3A_817 = arith.cmpi sle, %iota3A, %le3A_816 : vector<160x128xi32>
    %and3A_818 = arith.andi %ge3A_812, %le3A_817 : vector<160x128xi1>
    %get3A_819 = arith.constant 28 : index
    %get3A_820 = arith.constant 0 : index
    %get3A_821 = arith.constant 0 : index
    %get3A_822 = vector.load %arg0[%get3A_819, %get3A_820, %get3A_821] : memref<32x160x128xf32, #tpu.memory_space<vmem>>, vector<1x160x128xf32>
    %get3A_823 = vector.shape_cast %get3A_822 : vector<1x160x128xf32> to vector<160x128xf32>
    %jit3A_824 = arith.constant 0.000000e+00 : f32
    %broadcast_in_dim3A_825 = vector.broadcast %jit3A_824 : f32 to vector<160x128xf32>
    %select_n3A_826 = arith.select %and3A_818, %get3A_823, %broadcast_in_dim3A_825 : vector<160x128xi1>, vector<160x128xf32>
    %add3A_827 = arith.addf %add3A_798, %select_n3A_826 : vector<160x128xf32>
    %get3A_828 = arith.constant 28 : index
    %get3A_829 = arith.constant 0 : index
    %get3A_830 = arith.constant 0 : index
    %get3A_831 = vector.load %arg1[%get3A_828, %get3A_829, %get3A_830] : memref<32x160x128xf32, #tpu.memory_space<vmem>>, vector<1x160x128xf32>
    %get3A_832 = vector.shape_cast %get3A_831 : vector<1x160x128xf32> to vector<160x128xf32>
    %jit3A_833 = arith.constant 0.000000e+00 : f32
    %broadcast_in_dim3A_834 = vector.broadcast %jit3A_833 : f32 to vector<160x128xf32>
    %select_n3A_835 = arith.select %and3A_818, %get3A_832, %broadcast_in_dim3A_834 : vector<160x128xi1>, vector<160x128xf32>
    %add3A_836 = arith.addf %add3A_807, %select_n3A_835 : vector<160x128xf32>
    %get3A_837 = arith.constant 29 : index
    %get3A_838 = arith.constant 0 : index
    %get3A_839 = memref.load %arg2[%get3A_837, %get3A_838] : memref<32x16xi32, #tpu.memory_space<smem>>
    %ge3A_840 = vector.broadcast %get3A_839 : i32 to vector<160x128xi32>
    %ge3A_841 = arith.cmpi sge, %iota3A, %ge3A_840 : vector<160x128xi32>
    %get3A_842 = arith.constant 29 : index
    %get3A_843 = arith.constant 1 : index
    %get3A_844 = memref.load %arg2[%get3A_842, %get3A_843] : memref<32x16xi32, #tpu.memory_space<smem>>
    %le3A_845 = vector.broadcast %get3A_844 : i32 to vector<160x128xi32>
    %le3A_846 = arith.cmpi sle, %iota3A, %le3A_845 : vector<160x128xi32>
    %and3A_847 = arith.andi %ge3A_841, %le3A_846 : vector<160x128xi1>
    %get3A_848 = arith.constant 29 : index
    %get3A_849 = arith.constant 0 : index
    %get3A_850 = arith.constant 0 : index
    %get3A_851 = vector.load %arg0[%get3A_848, %get3A_849, %get3A_850] : memref<32x160x128xf32, #tpu.memory_space<vmem>>, vector<1x160x128xf32>
    %get3A_852 = vector.shape_cast %get3A_851 : vector<1x160x128xf32> to vector<160x128xf32>
    %jit3A_853 = arith.constant 0.000000e+00 : f32
    %broadcast_in_dim3A_854 = vector.broadcast %jit3A_853 : f32 to vector<160x128xf32>
    %select_n3A_855 = arith.select %and3A_847, %get3A_852, %broadcast_in_dim3A_854 : vector<160x128xi1>, vector<160x128xf32>
    %add3A_856 = arith.addf %add3A_827, %select_n3A_855 : vector<160x128xf32>
    %get3A_857 = arith.constant 29 : index
    %get3A_858 = arith.constant 0 : index
    %get3A_859 = arith.constant 0 : index
    %get3A_860 = vector.load %arg1[%get3A_857, %get3A_858, %get3A_859] : memref<32x160x128xf32, #tpu.memory_space<vmem>>, vector<1x160x128xf32>
    %get3A_861 = vector.shape_cast %get3A_860 : vector<1x160x128xf32> to vector<160x128xf32>
    %jit3A_862 = arith.constant 0.000000e+00 : f32
    %broadcast_in_dim3A_863 = vector.broadcast %jit3A_862 : f32 to vector<160x128xf32>
    %select_n3A_864 = arith.select %and3A_847, %get3A_861, %broadcast_in_dim3A_863 : vector<160x128xi1>, vector<160x128xf32>
    %add3A_865 = arith.addf %add3A_836, %select_n3A_864 : vector<160x128xf32>
    %get3A_866 = arith.constant 30 : index
    %get3A_867 = arith.constant 0 : index
    %get3A_868 = memref.load %arg2[%get3A_866, %get3A_867] : memref<32x16xi32, #tpu.memory_space<smem>>
    %ge3A_869 = vector.broadcast %get3A_868 : i32 to vector<160x128xi32>
    %ge3A_870 = arith.cmpi sge, %iota3A, %ge3A_869 : vector<160x128xi32>
    %get3A_871 = arith.constant 30 : index
    %get3A_872 = arith.constant 1 : index
    %get3A_873 = memref.load %arg2[%get3A_871, %get3A_872] : memref<32x16xi32, #tpu.memory_space<smem>>
    %le3A_874 = vector.broadcast %get3A_873 : i32 to vector<160x128xi32>
    %le3A_875 = arith.cmpi sle, %iota3A, %le3A_874 : vector<160x128xi32>
    %and3A_876 = arith.andi %ge3A_870, %le3A_875 : vector<160x128xi1>
    %get3A_877 = arith.constant 30 : index
    %get3A_878 = arith.constant 0 : index
    %get3A_879 = arith.constant 0 : index
    %get3A_880 = vector.load %arg0[%get3A_877, %get3A_878, %get3A_879] : memref<32x160x128xf32, #tpu.memory_space<vmem>>, vector<1x160x128xf32>
    %get3A_881 = vector.shape_cast %get3A_880 : vector<1x160x128xf32> to vector<160x128xf32>
    %jit3A_882 = arith.constant 0.000000e+00 : f32
    %broadcast_in_dim3A_883 = vector.broadcast %jit3A_882 : f32 to vector<160x128xf32>
    %select_n3A_884 = arith.select %and3A_876, %get3A_881, %broadcast_in_dim3A_883 : vector<160x128xi1>, vector<160x128xf32>
    %add3A_885 = arith.addf %add3A_856, %select_n3A_884 : vector<160x128xf32>
    %get3A_886 = arith.constant 30 : index
    %get3A_887 = arith.constant 0 : index
    %get3A_888 = arith.constant 0 : index
    %get3A_889 = vector.load %arg1[%get3A_886, %get3A_887, %get3A_888] : memref<32x160x128xf32, #tpu.memory_space<vmem>>, vector<1x160x128xf32>
    %get3A_890 = vector.shape_cast %get3A_889 : vector<1x160x128xf32> to vector<160x128xf32>
    %jit3A_891 = arith.constant 0.000000e+00 : f32
    %broadcast_in_dim3A_892 = vector.broadcast %jit3A_891 : f32 to vector<160x128xf32>
    %select_n3A_893 = arith.select %and3A_876, %get3A_890, %broadcast_in_dim3A_892 : vector<160x128xi1>, vector<160x128xf32>
    %add3A_894 = arith.addf %add3A_865, %select_n3A_893 : vector<160x128xf32>
    %get3A_895 = arith.constant 31 : index
    %get3A_896 = arith.constant 0 : index
    %get3A_897 = memref.load %arg2[%get3A_895, %get3A_896] : memref<32x16xi32, #tpu.memory_space<smem>>
    %ge3A_898 = vector.broadcast %get3A_897 : i32 to vector<160x128xi32>
    %ge3A_899 = arith.cmpi sge, %iota3A, %ge3A_898 : vector<160x128xi32>
    %get3A_900 = arith.constant 31 : index
    %get3A_901 = arith.constant 1 : index
    %get3A_902 = memref.load %arg2[%get3A_900, %get3A_901] : memref<32x16xi32, #tpu.memory_space<smem>>
    %le3A_903 = vector.broadcast %get3A_902 : i32 to vector<160x128xi32>
    %le3A_904 = arith.cmpi sle, %iota3A, %le3A_903 : vector<160x128xi32>
    %and3A_905 = arith.andi %ge3A_899, %le3A_904 : vector<160x128xi1>
    %get3A_906 = arith.constant 31 : index
    %get3A_907 = arith.constant 0 : index
    %get3A_908 = arith.constant 0 : index
    %get3A_909 = vector.load %arg0[%get3A_906, %get3A_907, %get3A_908] : memref<32x160x128xf32, #tpu.memory_space<vmem>>, vector<1x160x128xf32>
    %get3A_910 = vector.shape_cast %get3A_909 : vector<1x160x128xf32> to vector<160x128xf32>
    %jit3A_911 = arith.constant 0.000000e+00 : f32
    %broadcast_in_dim3A_912 = vector.broadcast %jit3A_911 : f32 to vector<160x128xf32>
    %select_n3A_913 = arith.select %and3A_905, %get3A_910, %broadcast_in_dim3A_912 : vector<160x128xi1>, vector<160x128xf32>
    %add3A_914 = arith.addf %add3A_885, %select_n3A_913 : vector<160x128xf32>
    %get3A_915 = arith.constant 31 : index
    %get3A_916 = arith.constant 0 : index
    %get3A_917 = arith.constant 0 : index
    %get3A_918 = vector.load %arg1[%get3A_915, %get3A_916, %get3A_917] : memref<32x160x128xf32, #tpu.memory_space<vmem>>, vector<1x160x128xf32>
    %get3A_919 = vector.shape_cast %get3A_918 : vector<1x160x128xf32> to vector<160x128xf32>
    %jit3A_920 = arith.constant 0.000000e+00 : f32
    %broadcast_in_dim3A_921 = vector.broadcast %jit3A_920 : f32 to vector<160x128xf32>
    %select_n3A_922 = arith.select %and3A_905, %get3A_919, %broadcast_in_dim3A_921 : vector<160x128xi1>, vector<160x128xf32>
    %add3A_923 = arith.addf %add3A_894, %select_n3A_922 : vector<160x128xf32>
    %max3A = arith.constant 1.000000e+00 : f32
    %max3A_924 = vector.broadcast %max3A : f32 to vector<160x128xf32>
    %max3A_925 = arith.maximumf %add3A_923, %max3A_924 : vector<160x128xf32>
    %div3A = arith.divf %add3A_914, %max3A_925 : vector<160x128xf32>
    %get3A_926 = arith.constant 0 : index
    %get3A_927 = arith.constant 0 : index
    %get3A_928 = memref.load %arg3[%get3A_926, %get3A_927] : memref<1x1xf32, #tpu.memory_space<smem>>
    %add3A_929 = vector.broadcast %get3A_928 : f32 to vector<160x128xf32>
    %add3A_930 = arith.addf %div3A, %add3A_929 : vector<160x128xf32>
    %logistic3A = arith.negf %add3A_930 : vector<160x128xf32>
    %logistic3A_931 = math.exp %logistic3A : vector<160x128xf32>
    %logistic3A_932 = arith.constant 1.000000e+00 : f32
    %logistic3A_933 = vector.broadcast %logistic3A_932 : f32 to vector<160x128xf32>
    %logistic3A_934 = arith.addf %logistic3A_933, %logistic3A_931 : vector<160x128xf32>
    %logistic3A_935 = arith.divf %logistic3A_933, %logistic3A_934 : vector<160x128xf32>
    %swap3A = arith.constant 0 : index
    %swap3A_936 = arith.constant 0 : index
    %swap3A_937 = vector.load %arg4[%swap3A, %swap3A_936] : memref<160x128xf32, #tpu.memory_space<vmem>>, vector<160x128xf32>
    tpu.vector_store %arg4[%swap3A, %swap3A_936], %logistic3A_935 {strides = array<i32>} : memref<160x128xf32, #tpu.memory_space<vmem>>, vector<160x128xf32>,
    return
  }
}

</mosaic_0001>

<sc_bundles>
// kernel: kernel.5.cloned.1.call-start
scs
__scs_entry_jumppad:
0x0: {  	(pc) =	sbr.rel $0x88, $3  }
0x1: {  	(tag) =	ssettag $0x0;
	lr =	simm.s32 $0x1  }
0x2: {  	[smem:$0x3F9C] =	sst lr;
	_ =	strace $0xD0000000  }
0x3: {  	_ = 	snop  }
0x4: {  	_ = 	snop  }
0x5: {  	_ = 	snop  }
0x6: {  	_ = 	snop  }
0x7: {  	_ = 	snop  }
__scs_overlays_trampoline_lowered:
0x8: {  	[smem:$0x3FAB] =	sst s0  }
0x9: {  	[smem:$0x3FAC] =	sst s1  }
0xa: {  	[smem:$0x3FAD] =	sst s2  }
0xb: {  	[smem:$0x3FAE] =	sst s3  }
0xc: {  	[smem:$0x3FAF] =	sst s4  }
0xd: {  	[smem:$0x3FB0] =	sst s5  }
0xe: {  	[smem:$0x3FB1] =	sst s6  }
0xf: {  	[smem:$0x3FB2] =	sst s7  }
0x10: {  	[smem:$0x3FB3] =	sst s8  }
0x11: {  	[smem:$0x3FB4] =	sst s9;
	s0 =	simm.s32 @!p0 $0x0  }
0x12: {  	s1 =	sld [smem:$0x3F9A];
	s0 =	simm.s32 @p0 $0x1  }
0x13: {  	[smem:$0x3FB5] =	sst s0;
	s0 =	simm.s32 @!p1 $0x0  }
0x14: {  	s2 =	sld [smem:$0x3F99];
	s0 =	simm.s32 @p1 $0x1  }
0x15: {  	[smem:$0x3FB6] =	sst s0;
	s0 =	simm.s32 @!p2 $0x0  }
0x16: {  	s3 =	sld [smem:$0x3FDB];
	s0 =	simm.s32 @p2 $0x1  }
0x17: {  	s4 =	simm.s32 $0x1BF5;
	[smem:$0x3FB8] =	sst s0  }
0x18: {  	s0 =	sld [smem:$0x3F9B];
	_ =	swait.ge [sflag:s4], $0x0  }
0x19: {  	s7 =	sld [smem:$0x3F9C]  }
0x1a: {  	s8 =	sadd.s32 $0xFFFFE003, lr  }
0x1b: {  	s9 =	sadd.s32 $0xFFFFFEF7, lr;
	s5 =	simm.s32 $0xFFFFFFFF;
	p2 =	slt.u32 s8, $0xFFFFF086  }
0x1c: {  	p1 =	slt.u32 s9, $0xF7A;
	s5 =	simm.s32 @!p2 $0x0  }
0x1d: {  	s5 =	simm.s32 @p1 $0x1;
	p0 =	seq.s32 s7, s2  }
0x1e: {  	s7 =	smul.u32 @!p0 $0xF7A, s2;
	p2 =	seq.s32 @!p0 s5, $0x0  }
0x1f: {  	s9 =	smul.u32 $0xF7A, s1;
	s8 =	simm.s32 @!p0 $0x1BF5;
	p2 =	por !p2, p0  }
0x20: {  	[sflag:s8] =	ssyncset.s32 @!p0 $0xFFFFF086;
	s6 =	sadd.s32 @!p0 s3, s7;
	s7 =	simm.s32 @!p0 $0x108  }
0x21: {  	s3 =	sadd.s32 s3, s9;
	s6 =	sadd.s32 @!p0 $0x88, s6;
	s7 =	simm.s32 @p2 $0x1082  }
0x22: {  	[simem:s7], [sflag:s8] =	dma.local @!p0 [hbm:s6], $0xF7A  }
0x23: {  	s9 =	sor.u32 $0xD0000000, s2;
	s6 =	simm.s32 $0x108;
	_ =	swait.ge @!p0 [sflag:s8], $0x0  }
0x24: {  	s3 =	sadd.s32 $0x88, s3;
	s6 =	simm.s32 @!p1 $0x1082;
	[sflag:s4] =	ssyncset.s32 $0xFFFFF086  }
0x25: {  	[simem:s6], [sflag:s4] =	dma.local [hbm:s3], $0xF7A  }
0x26: {  	[smem:$0x3F9C] =	sst s1;
	(tag) =	ssettag s2;
	_ =	strace s9  }
0x27: {  	s1 =	sld [smem:$0x3FAC]  }
0x28: {  	s2 =	sld [smem:$0x3FAD]  }
0x29: {  	s4 =	sld [smem:$0x3FAF]  }
0x2a: {  	p0 =	seq.s32 s5, $0x0;
	s5 =	sld [smem:$0x3FB0]  }
0x2b: {  	s6 =	sld [smem:$0x3FB1]  }
0x2c: {  	s7 =	sld [smem:$0x3FB2]  }
0x2d: {  	s3 =	simm.s32 $0x108;
	s8 =	sld [smem:$0x3FB3]  }
0x2e: {  	s3 =	simm.s32 @!p0 $0x1082;
	s9 =	sld [smem:$0x3FB4]  }
0x2f: {  	lr =	sadd.s32 s0, s3;
	s0 =	sld [smem:$0x3FAB]  }
0x30: {  	s3 =	sld [smem:$0x3FAE]  }
0x31: {  	[smem:$0x3FB7] =	sst s10  }
0x32: {  	s10 =	sld [smem:$0x3FB5];
	_ =	sdelay $0x3  }
0x33: {  	p0 =	seq.s32 s10, $0x1;
	s10 =	sld [smem:$0x3FB7];
	_ =	sdelay $0x3  }
0x34: {  	[smem:$0x3FB7] =	sst s10  }
0x35: {  	s10 =	sld [smem:$0x3FB6];
	_ =	sdelay $0x3  }
0x36: {  	p1 =	seq.s32 s10, $0x1;
	s10 =	sld [smem:$0x3FB7];
	_ =	sdelay $0x3  }
0x37: {  	[smem:$0x3FB7] =	sst s10  }
0x38: {  	s10 =	sld [smem:$0x3FB8]  }
0x39: {  	_ = 	snop;
	(pc) =	sbr.ind lr, $3  }
0x3a: {  	_ = 	snop  }
0x3b: {  	_ = 	snop  }
0x3c: {  	p2 =	seq.s32 s10, $0x1;
	s10 =	sld [smem:$0x3FB7]  }
0x3d: {  	_ =	shalt  }
0x3e: {  	_ =	shalt  }
0x3f: {  	_ =	shalt  }
0x40: {  	_ =	shalt  }
0x41: {  	_ =	shalt  }
0x42: {  	_ =	shalt  }
0x43: {  	_ =	shalt  }
0x44: {  	_ =	shalt  }
0x45: {  	_ =	shalt  }
0x46: {  	_ =	shalt  }
0x47: {  	_ =	shalt  }
0x48: {  	_ =	shalt  }
0x49: {  	_ =	shalt  }
0x4a: {  	_ =	shalt  }
0x4b: {  	_ =	shalt  }
0x4c: {  	_ =	shalt  }
0x4d: {  	_ =	shalt  }
0x4e: {  	_ =	shalt  }
0x4f: {  	_ =	shalt  }
0x50: {  	_ =	shalt  }
0x51: {  	_ =	shalt  }
0x52: {  	_ =	shalt  }
0x53: {  	_ =	shalt  }
0x54: {  	_ =	shalt  }
0x55: {  	_ =	shalt  }
0x56: {  	_ =	shalt  }
0x57: {  	_ =	shalt  }
0x58: {  	_ =	shalt  }
0x59: {  	_ =	shalt  }
0x5a: {  	_ =	shalt  }
0x5b: {  	_ =	shalt  }
0x5c: {  	_ =	shalt  }
0x5d: {  	_ =	shalt  }
0x5e: {  	_ =	shalt  }
0x5f: {  	_ =	shalt  }
0x60: {  	_ =	shalt  }
0x61: {  	_ =	shalt  }
0x62: {  	_ =	shalt  }
0x63: {  	_ =	shalt  }
0x64: {  	_ =	shalt  }
0x65: {  	_ =	shalt  }
0x66: {  	_ =	shalt  }
0x67: {  	_ =	shalt  }
0x68: {  	_ =	shalt  }
0x69: {  	_ =	shalt  }
0x6a: {  	_ =	shalt  }
0x6b: {  	_ =	shalt  }
0x6c: {  	_ =	shalt  }
0x6d: {  	_ =	shalt  }
0x6e: {  	_ =	shalt  }
0x6f: {  	_ =	shalt  }
0x70: {  	_ =	shalt  }
0x71: {  	_ =	shalt  }
0x72: {  	_ =	shalt  }
0x73: {  	_ =	shalt  }
0x74: {  	_ =	shalt  }
0x75: {  	_ =	shalt  }
0x76: {  	_ =	shalt  }
0x77: {  	_ =	shalt  }
0x78: {  	_ =	shalt  }
0x79: {  	_ =	shalt  }
0x7a: {  	_ =	shalt  }
0x7b: {  	_ =	shalt  }
0x7c: {  	_ =	shalt  }
0x7d: {  	_ =	shalt  }
0x7e: {  	_ =	shalt  }
0x7f: {  	_ =	shalt  }
0x80: {  	_ =	shalt  }
0x81: {  	_ =	shalt  }
0x82: {  	_ =	shalt  }
0x83: {  	_ =	shalt  }
0x84: {  	_ =	shalt  }
0x85: {  	_ =	shalt  }
0x86: {  	_ =	shalt  }
0x87: {  	_ =	shalt  }
.Lfunc_end0:
.L_simem_size_0:
called_computation_lowered:
.L_overlay_start_0:
0x88: {  	s2 =	sld [smem:$0x3FD9]  }
0x89: {  	s3 =	sld [smem:$0x3FFE];
	_ =	sdelay $0x1  }
0x8a: {  	s1 =	srdreg.scid  }
0x8b: {  	s0 =	sand.u32 $0x1, s1  }
0x8c: {  	s17 =	sshll.u32 s0, $0xA;
	s2 =	sadd.s32 s3, s2  }
0x8d: {  	s2 =	sadd.s32 s2, s17  }
0x8e: {  	[smem:$0x3FC3] =	sst s2  }
0x8f: {  	_ = 	snop  }
0x90: {  	s2 =	sld [smem:$0x3FC8]  }
0x91: {  	s18 =	sld [smem:$0x3FC7]  }
0x92: {  	s4 =	sld [smem:$0x3FD0];
	(tm) =	ssettm $0x1  }
0x93: {  	s5 =	sld [smem:$0x3FFB];
	_ =	sdelay $0x3  }
0x94: {  	_ =	strace s5  }
0x95: {  	s5 =	sld [smem:$0x3FFC];
	_ =	sdelay $0x3  }
0x96: {  	_ =	strace s5  }
0x97: {  	s5 =	sld [smem:$0x3FFD];
	_ =	sdelay $0x3  }
0x98: {  	_ =	strace s5  }
0x99: {  	_ =	strace $0x8FFFFFFF  }
0x9a: {  	s19 =	sld [smem:$0x3FDB];
	_ =	sdelay $0x1  }
0x9b: {  	s6 =	simm.s32 $_scs_section_size  }
0x9c: {  	s7 =	simm.s32 $_size__tile_overlayer_lowered;
	s8 =	simm.s32 $_tile_overlayer_lowered  }
0x9d: {  	s22 =	simm.s32 $0x1BFF;
	s21 =	sshll.u32 s8, $0x1;
	s5 =	sadd.s32 s6, s19  }
0x9e: {  	s9 =	simm.s32 $0x0;
	s20 =	sshll.u32 s7, $0x1;
	s7 =	sadd.s32 s21, s5  }
0x9f: {  	[timem:s9], [sflag:s22] =	dma.local [hbm:s7], s20  }
0xa0: {  	_ =	swait.ge [sflag:s22], s20  }
0xa1: {  	s6 =	ssub.s32 $0x0, s20;
	[sflag:s22] =	ssyncset.done $0x0  }
0xa2: {  	[sflag:s22] =	ssyncadd.s32 s6;
	_ =	sdelay $0x1  }
0xa3: {  	s23 =	simm.s32 $0x1B8B  }
0xa4: {  	_ =	swait.ge [sflag:s23], $0x1  }
0xa5: {  	[sflag:s23] =	ssyncset.done $0x0  }
0xa6: {  	s25 =	simm.s32 $0x1B8E;
	s24 =	sld [smem:$0x3FFE];
	[sflag:s23] =	ssyncadd.s32 $0xFFFFFFFF  }
0xa7: {  	s26 =	simm.s32 $execute0_lowered;
	[smem:$0x3FD2] =	sst s25  }
0xa8: {  	s7 =	sshll.u32 s26, $0x1;
	_ =	strace $0x80000046;
	[dreg:$0x1] =	wrdreg $0xFFFFFFFF  }
0xa9: {  	s28 =	simm.s32 $_size_execute0_lowered;
	s5 =	sadd.s32 s5, s7;
	[dreg:$0x0] =	wrdreg $0x0  }
0xaa: {  	s7 =	sshll.u32 s28, $0x1;
	[dreg:$0x2] =	wrdreg s5  }
0xab: {  	[dreg:$0x3] =	wrdreg s7  }
0xac: {  	[dreg:$0x4] =	wrdreg $0xC0  }
0xad: {  	_ =	task [dreg:s9], $0x5FFFF  }
0xae: {  	[dreg:$0x1] =	wrdreg $0xFFFFFFFF  }
0xaf: {  	[dreg:$0x0] =	wrdreg $0x60  }
0xb0: {  	[dreg:$0x2] =	wrdreg s4  }
0xb1: {  	[dreg:$0x3] =	wrdreg s2  }
0xb2: {  	[dreg:$0x4] =	wrdreg s18  }
0xb3: {  	[dreg:$0x5] =	wrdreg s24  }
0xb4: {  	[dreg:$0x6] =	wrdreg $0x9  }
0xb5: {  	_ =	task.clear_ibuf [dreg:s9], $0x7FFFF;
	_ =	strace $0x90000046  }
0xb6: {  	s29 =	simm.s32 $0x9;
	_ =	strace $0x80000048  }
0xb7: {  	_ =	swait.ge [sflag:s29], $0x1  }
0xb8: {  	[sflag:s29] =	ssyncadd.s32 $0xFFFFFFFF  }
0xb9: {  	_ =	strace $0x90000048  }
0xba: {  	_ =	sfence  }
0xbb: {  	s30 =	sld [smem:$0x0];
	_ =	sdelay $0x2  }
0xbc: {  	s31 =	sshll.u32 s1, $0xD;
	s1 =	sshrl.u32 s1, $0x2  }
0xbd: {  	s3 =	sand.u32 $0x4000, s31;
	s1 =	sadd.s32 s1, s30  }
0xbe: {  	s0 =	sor.u32 s3, s0;
	s1 =	sshll.u32 s1, $0x11  }
0xbf: {  	s0 =	sor.u32 s1, s0  }
0xc0: {  	s0 =	sadd.s32 $0x8F2B, s0  }
0xc1: {  	[sflag:s0] =	ssyncadd.remote.s32 $0x1  }
0xc2: {  	_ =	sfence.sel $0xFFFF  }
0xc3: {  	[dreg:$0x0] =	wrdreg $0xFFFFFFFF;
	(pc) =	sbr.abs _section_cstart, $3  }
0xc4: {  	[dreg:$0x1] =	wrdreg $0xFFFFFFFF  }
0xc5: {  	_ =	task.clear_ibuf [dreg:s9], $0x2FFFF;
	_ =	strace $0x9FFFFFFF  }
0xc6: {  	(tm) =	ssettm $0x7FFFFFFF  }
0xc7: {  	_ =	shalt  }
tec
execute0_lowered:
.L_overlay_start_1:
0x0: {  	(tag) =	ssettag $0x1  }
0x1: {  	s1 =	rddreg [dreg:$0x0]  }
0x2: {  	s6 =	rddreg [dreg:$0x1]  }
0x3: {  	s7 =	rddreg [dreg:$0x2]  }
0x4: {  	s8 =	rddreg [dreg:$0x3]  }
0x5: {  	s0 =	rddreg [dreg:$0x4];
	s3 =	simm.s32 $0x0;
	s4 =	srdreg.scid  }
0x6: {  	s2 =	stileid.u32;
	s15 =	simm.s32 $0x3C00;
	s16 =	simm.s32 $0x1  }
0x7: {  	s17 =	simm.s32 $0x5000;
	s18 =	simm.s32 $0xA000;
	s19 =	simm.s32 $0xF000  }
0x8: {  	s20 =	simm.s32 $0x0;
	s5 =	sand.u32 $0x1, s4;
	s31 =	sshll.u32 s2, $0x1  }
0x9: {  	[smem:$0x7FF] =	sst s3;
	s4 =	sadd.s32 $0x1200, s8;
	s10 =	sor.u32 s5, s31  }
0xa: {  	_ =	strace $0x80000047;
	s9 =	ssub.s32 $0x2, s5;
	s11 =	smul.u32 $0x271, s10  }
0xb: {  	s5 =	sadd.s32 $0x15200, s8;
	s12 =	sshll.u32 s10, $0x4;
	s14 =	smul.u32 $0xA00, s10  }
0xc: {  	s13 =	sshrl.u32 s9, $0x1;
	s10 =	smul.u32 $0x5000, s10;
	s12 =	sadd.s32 s12, s8  }
0xd: {  	s13 =	ssub.s32 s9, s13;
	s6 =	sadd.s32 s6, s11;
	s7 =	sadd.s32 s7, s11  }
0xe: {  	v0 =	vimm.f32 $1.000000000e+00;
	vm0 =	vmmov $0xff;
	s8 =	sadd.s32 s4, s14;
	s9 =	sadd.s32 s5, s14;
	s11 =	sadd.s32 $0x29200, s12  }
0xf: {  	vm1 =	vcmask $0x300;
	vm2 =	vcmask $0x704;
	v1 =	vimm.f32 $0.0e+00;
	s12 =	smax.u32 s13, $0x1;
	s13 =	simm.s32 $0x2800;
	s14 =	simm.s32 $0x2  }
.LBB2_1:
0x10: {  	[tilespmem:s3], [sflag:$0x1] =	stream.linear.gather [hbm4b:s1+s3], $0x2800, $0x38;
	[tilespmem:$0xF080] =	vst v63  }
0x11: {  	_ = 	snop  }
0x12: {  	[tilespmem:s13], [sflag:$0x2] =	stream.linear.gather [hbm4b:s6+s3], $0x1388, $0x38;
	[tilespmem:$0xF080] =	vst v63  }
0x13: {  	_ =	swait.ge [sflag:s14], $0x1388  }
0x14: {  	[sflag:s14] =	ssyncset.done $0x0  }
0x15: {  	[sflag:s14] =	ssyncadd.s32 $0xFFFFEC78  }
0x16: {  	[tilespmem:s15], [sflag:$0x2] =	stream.linear.gather [hbm4b:s7+s3], $0x1388, $0x38;
	[tilespmem:$0xF080] =	vst v63  }
0x17: {  	_ =	swait.ge [sflag:s14], $0x1388  }
0x18: {  	[sflag:s14] =	ssyncset.done $0x0  }
0x19: {  	[sflag:s14] =	ssyncadd.s32 $0xFFFFEC78  }
0x1a: {  	v2 =	vld [tilespmem:$0x3C00]  }
0x1b: {  	v3 =	vld [tilespmem:$0x4F78];
	_ =	sdelay $0x3  }
0x1c: {  	v2 =	vxor.u32 $0x80000000, v2  }
0x1d: {  	(xrf0) =	vmin.scan.msk.u32 $0xffff, v2;
	v2 =	vxor.u32 $0x80000000, v3  }
0x1e: {  	(xrf0) =	vmax.scan.msk.u32 $0xffff, v2;
	_ =	sdelay $0x4  }
0x1f: {  	v2, _, _ =	vpop (xrf0)  }
0x20: {  	(v2sf) =	vpush v2, $0xF;
	v2, _, _ =	vpop (xrf0)  }
0x21: {  	(v2sf) =	vpush v2, $0xF;
	_ =	sdelay $0xd  }
0x22: {  	s21 =	spop (v2sf)  }
0x23: {  	s22 =	spop (v2sf)  }
0x24: {  	s21 =	sshrl.u32 s21, $0x7;
	s23 =	sshrl.u32 s22, $0x7  }
0x25: {  	s22 =	sxor.u32 $0x1000000, s21;
	s21 =	sxor.u32 $0x1000000, s23  }
0x26: {  	p0 =	sgt.u32 s22, s21  }
.Ltmp0:
0x27: {  	_ = 	snop;
	(pc) =	sbr.rel @p0 .LBB2_4-.Ltmp0, $1  }
0x28: {  	_ =	sdelay $0x3  }
0x29: {  	s23 =	sshll.u32 s22, $0x9  }
0x2a: {  	s23 =	sshra.s32 s23, $0x2  }
0x2b: {  	s24 =	sadd.s32 $0x5040, s23  }
0x2c: {  	s23 =	sadd.s32 $0xA040, s23;
	[tilespmem:s24+$0xFFFFFFC0] =	vst v1  }
0x2d: {  	[tilespmem:s23+$0xFFFFFFC0] =	vst v1  }
0x2e: {  	[tilespmem:s24+$0xFFFFFFD0] =	vst v1  }
0x2f: {  	[tilespmem:s23+$0xFFFFFFD0] =	vst v1  }
0x30: {  	[tilespmem:s24+$0xFFFFFFE0] =	vst v1  }
0x31: {  	[tilespmem:s23+$0xFFFFFFE0] =	vst v1  }
0x32: {  	[tilespmem:s24+$0xFFFFFFF0] =	vst v1  }
0x33: {  	[tilespmem:s23+$0xFFFFFFF0] =	vst v1  }
0x34: {  	s25 =	ssub.s32 s21, s22;
	[tilespmem:s24+$0x0] =	vst v1  }
0x35: {  	s25 =	sadd.s32 $0x1, s25;
	[tilespmem:s23+$0x0] =	vst v1  }
0x36: {  	p0 =	sne.s32 s25, $0x1;
	[tilespmem:s24+$0x10] =	vst v1  }
.Ltmp1:
0x37: {  	[tilespmem:s23+$0x10] =	vst v1;
	(pc) =	sbr.rel @!p0 .LBB2_4-.Ltmp1, $4  }
0x38: {  	[tilespmem:s24+$0x20] =	vst v1  }
0x39: {  	[tilespmem:s23+$0x20] =	vst v1  }
0x3a: {  	[tilespmem:s24+$0x30] =	vst v1  }
0x3b: {  	s25 =	sadd.s32 $0xFFFFFFFF, s25;
	s24 =	sadd.s32 $0x80, s24;
	[tilespmem:s23+$0x30] =	vst v1  }
.LBB2_3:
0x3c: {  	[tilespmem:s24+$0xFFFFFFC0] =	vst v1;
	p0 =	sne.s32 s25, $0x1;
	s23 =	sadd.s32 $0x80, s23  }
0x3d: {  	[tilespmem:s23+$0xFFFFFFC0] =	vst v1  }
0x3e: {  	[tilespmem:s24+$0xFFFFFFD0] =	vst v1  }
0x3f: {  	[tilespmem:s23+$0xFFFFFFD0] =	vst v1  }
0x40: {  	[tilespmem:s24+$0xFFFFFFE0] =	vst v1  }
0x41: {  	[tilespmem:s23+$0xFFFFFFE0] =	vst v1  }
0x42: {  	[tilespmem:s24+$0xFFFFFFF0] =	vst v1  }
0x43: {  	[tilespmem:s23+$0xFFFFFFF0] =	vst v1  }
0x44: {  	[tilespmem:s24+$0x0] =	vst v1  }
0x45: {  	[tilespmem:s23+$0x0] =	vst v1  }
0x46: {  	[tilespmem:s24+$0x10] =	vst v1  }
.Ltmp2:
0x47: {  	[tilespmem:s23+$0x10] =	vst v1;
	(pc) =	sbr.rel @p0 .LBB2_3-.Ltmp2, $4  }
0x48: {  	[tilespmem:s24+$0x20] =	vst v1  }
0x49: {  	[tilespmem:s23+$0x20] =	vst v1  }
0x4a: {  	[tilespmem:s24+$0x30] =	vst v1  }
0x4b: {  	s25 =	sadd.s32 $0xFFFFFFFF, s25;
	s24 =	sadd.s32 $0x80, s24;
	[tilespmem:s23+$0x30] =	vst v1  }
.LBB2_4:
0x4c: {  	_ =	swait.ge [sflag:s16], $0x2800  }
0x4d: {  	[sflag:s16] =	ssyncset.done $0x0  }
0x4e: {  	s23 =	sadd.s32 $0x1, s21;
	s24 =	simm.s32 $0x0;
	[sflag:s16] =	ssyncadd.s32 $0xFFFFD800  }
.LBB2_5:
0x4f: {  	s25 =	sshra.s32 s24, $0x2  }
0x50: {  	v2 =	vld [tilespmem:s25+$0x2800];
	_ =	sdelay $0x4  }
0x51: {  	v3 =	vld [tilespmem:s25+$0x3C00];
	_ =	sdelay $0x2  }
0x52: {  	v2 =	vld.idx.msk [tilespmem:v2+s3+$0x0], $0xffff;
	_ =	sdelay $0x4  }
0x53: {  	[tilespmem:v3+s17+$0x0] =	vst.idx.add.f32.msk $0xffff, v2  }
0x54: {  	[tilespmem:v3+s18+$0x0] =	vst.idx.add.f32.msk $0xffff, v0  }
0x55: {  	v2 =	vld [tilespmem:s25+$0x2810];
	_ =	sdelay $0x4  }
0x56: {  	v3 =	vld [tilespmem:s25+$0x3C10];
	_ =	sdelay $0x2  }
0x57: {  	v2 =	vld.idx.msk [tilespmem:v2+s3+$0x0], $0xffff;
	_ =	sdelay $0x4  }
0x58: {  	[tilespmem:v3+s17+$0x0] =	vst.idx.add.f32.msk $0xffff, v2  }
0x59: {  	[tilespmem:v3+s18+$0x0] =	vst.idx.add.f32.msk $0xffff, v0  }
0x5a: {  	v2 =	vld [tilespmem:s25+$0x2820];
	_ =	sdelay $0x4  }
0x5b: {  	v3 =	vld [tilespmem:s25+$0x3C20];
	_ =	sdelay $0x2  }
0x5c: {  	v2 =	vld.idx.msk [tilespmem:v2+s3+$0x0], $0xffff;
	_ =	sdelay $0x4  }
0x5d: {  	[tilespmem:v3+s17+$0x0] =	vst.idx.add.f32.msk $0xffff, v2  }
0x5e: {  	[tilespmem:v3+s18+$0x0] =	vst.idx.add.f32.msk $0xffff, v0  }
0x5f: {  	v2 =	vld [tilespmem:s25+$0x2830];
	_ =	sdelay $0x4  }
0x60: {  	v3 =	vld [tilespmem:s25+$0x3C30];
	_ =	sdelay $0x2  }
0x61: {  	v2 =	vld.idx.msk [tilespmem:v2+s3+$0x0], $0xffff  }
0x62: {  	p0 =	sne.s32 s24, $0x4D00  }
.Ltmp3:
0x63: {  	_ = 	snop;
	(pc) =	sbr.rel @p0 .LBB2_5-.Ltmp3, $3  }
0x64: {  	_ =	sdelay $0x1  }
0x65: {  	[tilespmem:v3+s17+$0x0] =	vst.idx.add.f32.msk $0xffff, v2  }
0x66: {  	s24 =	sadd.s32 $0x100, s24;
	[tilespmem:v3+s18+$0x0] =	vst.idx.add.f32.msk $0xffff, v0  }
0x67: {  	v2 =	vld [tilespmem:$0x3B80];
	_ =	sdelay $0x4  }
0x68: {  	v3 =	vld [tilespmem:$0x4F80];
	v2 =	vnsel vm0, $0x0, v2;
	_ =	sdelay $0x4  }
0x69: {  	v3 =	vnsel vm0, $0x0, v3;
	v2 =	vld.idx.msk [tilespmem:v2+s3+$0x0], $0xffff;
	_ =	sdelay $0x1  }
0x6a: {  	s24 =	sand.u32 $0x1FFFFF8, s22  }
0x6b: {  	s24 =	smin.u32 s24, $0x90  }
0x6c: {  	s23 =	ssub.s32 s23, s24  }
0x6d: {  	p0 =	sgt.s32 s23, $0x10;
	[tilespmem:v3+s17+$0x0] =	vst.idx.add.f32.msk $0xff, v2  }
0x6e: {  	s23 =	simm.s32 @p0 $0x0;
	s25 =	simm.s32 @p0 $0x5000;
	[tilespmem:v3+s18+$0x0] =	vst.idx.add.f32.msk $0xff, v0  }
0x6f: {  	[hbm4b:s8+s23] =	stream.linear.scatter @p0 [tilespmem:s25], [sflag:$0x2], $0x5000, $0x38;
	[tilespmem:$0xF080] =	vst v63  }
0x70: {  	s25 =	simm.s32 @p0 $0x2  }
0x71: {  	_ =	swait.ge @p0 [sflag:s25], $0x5000  }
0x72: {  	[sflag:s25] =	ssyncset.done @p0 $0x0  }
0x73: {  	s26 =	simm.s32 @p0 $0xA000;
	[sflag:s25] =	ssyncadd.s32 @p0 $0xFFFFB000  }
0x74: {  	[hbm4b:s9+s23] =	stream.linear.scatter @p0 [tilespmem:s26], [sflag:$0x2], $0x5000, $0x38;
	[tilespmem:$0xF080] =	vst v63  }
0x75: {  	s23 =	sshll.u32 @!p0 s24, $0x7  }
0x76: {  	_ =	swait.ge @p0 [sflag:s25], $0x5000;
	s24 =	sadd.s32 @!p0 s10, s23  }
0x77: {  	s28 =	simm.s32 @!p0 $0x0;
	[sflag:s25] =	ssyncset.done @p0 $0x0;
	s24 =	sshrl.u32 @!p0 s24, $0x3  }
0x78: {  	s26 =	sadd.s32 @!p0 $0x5000, s23;
	[sflag:s25] =	ssyncadd.s32 @p0 $0xFFFFB000;
	s25 =	sadd.s32 @!p0 s4, s24  }
0x79: {  	[hbm4b:s25+s28] =	stream.linear.scatter @!p0 [tilespmem:s26], [sflag:$0x2], $0x800, $0x38;
	[tilespmem:$0xF080] =	vst v63  }
0x7a: {  	s25 =	simm.s32 @!p0 $0x2  }
0x7b: {  	_ =	swait.ge @!p0 [sflag:s25], $0x800  }
0x7c: {  	[sflag:s25] =	ssyncset.done @!p0 $0x0  }
0x7d: {  	s23 =	sadd.s32 @!p0 $0xA000, s23;
	s24 =	sadd.s32 @!p0 s5, s24;
	[sflag:s25] =	ssyncadd.s32 @!p0 $0xFFFFF800  }
0x7e: {  	[hbm4b:s24+s28] =	stream.linear.scatter @!p0 [tilespmem:s23], [sflag:$0x2], $0x800, $0x38;
	[tilespmem:$0xF080] =	vst v63  }
0x7f: {  	v2 =	vmov s22;
	_ =	swait.ge @!p0 [sflag:s25], $0x800  }
0x80: {  	s20 =	sadd.s32 $0x1, s20;
	v2 =	vnsel vm1, $0x0, v2;
	[sflag:s25] =	ssyncset.done @!p0 $0x0  }
0x81: {  	v2 =	vsel vm2, s21, v2;
	[sflag:s25] =	ssyncadd.s32 @!p0 $0xFFFFF800;
	p0 =	sne.s32 s20, s12  }
.Ltmp4:
0x82: {  	[tilespmem:$0xF000] =	vst v2;
	(pc) =	sbr.rel @p0 .LBB2_1-.Ltmp4, $4  }
0x83: {  	[hbm4b:s11+s3] =	stream.linear.scatter [tilespmem:s19], [sflag:$0x2], $0x80, $0x38;
	[tilespmem:$0xF080] =	vst v63  }
0x84: {  	_ =	swait.ge [sflag:s14], $0x80  }
0x85: {  	[sflag:s14] =	ssyncset.done $0x0  }
0x86: {  	[sflag:s14] =	ssyncadd.s32 $0xFFFFFF80  }
0x87: {  	_ =	sfence.sel $0x180000  }
0x88: {  	[bflag:$0x0] =	sbarrier.arrive $0xFFFF  }
0x89: {  	p0 =	sne.s32 s2, $0x0;
	_ =	strace $0x90000047  }
0x8a: {  	s0 =	sadd.s32 @!p0 $0x100000, s0;
	[bflag:$0x2] =	sbarrier.arrive $0xFFFF  }
0x8b: {  	[sflag:s0] =	ssyncadd.tile.s32 @!p0 $0x1;
	_ =	shalt  }
.Lfunc_end2:
_tile_overlayer_lowered:
.L_overlay_start_2:
0x8c: {  	(tag) =	ssettag $0x2  }
0x8d: {  	s0 =	rddreg [dreg:$0x0];
	s2 =	stileid.u32  }
0x8e: {  	s1 =	rddreg [dreg:$0x1];
	p0 =	sne.s32 s2, $0x0  }
0x8f: {  	s3 =	rddreg [dreg:$0x2];
	[bflag:$0x3] =	sbarrier.arrive $0xFFFF;
	s2 =	simm.s32 @!p0 $0x1C02  }
0x90: {  	[timem:s3], [sflag:s2] =	dma.local @!p0 [hbm:s0], s1  }
0x91: {  	s0 =	simm.s32 @!p0 $0x2  }
0x92: {  	_ =	swait.ge @!p0 [sflag:s0], s1  }
0x93: {  	s1 =	ssub.s32 @!p0 $0x0, s1;
	[sflag:s0] =	ssyncset.done @!p0 $0x0  }
0x94: {  	[sflag:s0] =	ssyncadd.s32 @!p0 s1  }
0x95: {  	[bflag:$0x3] =	sbarrier.arrive $0xFFFF  }
0x96: {  	_ =	shalt  }

</sc_bundles>
